<compile_context>
chip_gen: v7x
topology: tpu7x:2x2x1
jax: 0.10.2.dev20260603
libtpu: 0.0.44.dev20260713+nightly
codegen_flags: <defaults>
</compile_context>

<pallas_src>
import functools
import math

import jax
import jax.numpy as jnp
from jax import lax
from jax.experimental import pallas as pl
from jax.experimental.pallas import tpu as pltpu
from jax.experimental.pallas import tpu_sc as plsc

D_MODEL = 64
SCALE = math.sqrt(D_MODEL)

NC = 2
NS = 16
NW = NC * NS

STEP = 128
LANES = 16
CHUNK = 128


def _make_kernel(n_steps, vocab):
    mesh = plsc.VectorSubcoreMesh(core_axis_name="c", subcore_axis_name="s")

    n_full = vocab // CHUNK
    rem = vocab - n_full * CHUNK
    n_chunks = n_full + (1 if rem else 0)
    t_hi = (n_chunks - 1) // NW + 1

    @functools.partial(
        pl.kernel,
        mesh=mesh,
        compiler_params=pltpu.CompilerParams(needs_layout_passes=False),
        out_type=jax.ShapeDtypeStruct((NW, n_steps, STEP, D_MODEL), jnp.float32),
        scratch_types=[
            pltpu.MemorySpace.HBM((vocab + NW, D_MODEL), jnp.float32),
            pltpu.VMEM((n_steps, STEP), jnp.int32),
            pltpu.VMEM((8, D_MODEL), jnp.float32),
            pltpu.VMEM((1, D_MODEL), jnp.float32),
            pltpu.VMEM((NW, D_MODEL), jnp.float32),
            pltpu.VMEM((STEP, D_MODEL), jnp.float32),
            pltpu.VMEM((STEP, D_MODEL), jnp.float32),
            pltpu.VMEM((CHUNK, D_MODEL), jnp.float32),
            pltpu.VMEM((CHUNK, D_MODEL), jnp.float32),
            pltpu.SemaphoreType.DMA,
            pltpu.SemaphoreType.DMA,
            pltpu.SemaphoreType.DMA,
            pltpu.SemaphoreType.DMA,
            pltpu.SemaphoreType.DMA,
            pltpu.SemaphoreType.DMA,
            pltpu.SemaphoreType.DMA,
            pltpu.SemaphoreType.DMA,
        ],
    )
    def k(x_hbm, tbl_hbm, out_hbm,
          tbl3, idx_v, ebuf, fbuf, pbuf, obuf0, obuf1, cbuf0, cbuf1,
          psem0, psem1, gsem0, gsem1, ssem0, ssem1, wsem0, wsem1):
        wid = lax.axis_index("s") * NC + lax.axis_index("c")
        obuf = (obuf0, obuf1)

        pltpu.sync_copy(tbl_hbm.at[pl.ds(0, 8)], ebuf)
        expv = ebuf[0, pl.ds(0, LANES)] * 3.0 + 1.337
        for cc in range(D_MODEL // LANES):
            fbuf[0, pl.ds(cc * LANES, LANES)] = expv

        pltpu.sync_copy(x_hbm.at[wid], idx_v)

        cbuf = (cbuf0, cbuf1)

        def p1_read(t, buf, sem):
            ci = wid + t * NW

            @pl.when(ci < n_full)
            def _():
                base = ci * CHUNK
                pltpu.async_copy(tbl_hbm.at[pl.ds(base, CHUNK)], buf, sem)

            if rem:
                @pl.when(ci == n_full)
                def _():
                    base = n_full * CHUNK
                    pltpu.async_copy(
                        tbl_hbm.at[pl.ds(base, rem)],
                        buf.at[pl.ds(0, rem)], sem)

        def p1_wait(t, buf, sem):
            ci = wid + t * NW

            @pl.when(ci < n_full)
            def _():
                base = ci * CHUNK
                pltpu.make_async_copy(
                    tbl_hbm.at[pl.ds(base, CHUNK)], buf, sem).wait()

            if rem:
                @pl.when(ci == n_full)
                def _():
                    base = n_full * CHUNK
                    pltpu.make_async_copy(
                        tbl_hbm.at[pl.ds(base, rem)],
                        buf.at[pl.ds(0, rem)], sem).wait()

        def p1_write(t, buf, sem):
            ci = wid + t * NW

            @pl.when(ci < n_full)
            def _():
                base = ci * CHUNK
                pltpu.async_copy(buf, tbl3.at[pl.ds(base, CHUNK)], sem)

            if rem:
                @pl.when(ci == n_full)
                def _():
                    base = n_full * CHUNK
                    pltpu.async_copy(
                        buf.at[pl.ds(0, rem)], tbl3.at[pl.ds(base, rem)], sem)

        def p1_wwait(t, buf, sem):
            ci = wid + t * NW

            @pl.when(ci < n_full)
            def _():
                base = ci * CHUNK
                pltpu.make_async_copy(
                    buf, tbl3.at[pl.ds(base, CHUNK)], sem).wait()

            if rem:
                @pl.when(ci == n_full)
                def _():
                    base = n_full * CHUNK
                    pltpu.make_async_copy(
                        buf.at[pl.ds(0, rem)],
                        tbl3.at[pl.ds(base, rem)], sem).wait()

        psem = (psem0, psem1)
        wsem = (wsem0, wsem1)
        p1_read(0, cbuf0, psem0)

        def p1_pair(i, c2):
            t0 = i * 2
            for b in range(2):
                t = t0 + b
                nb = 1 - b
                @pl.when(t >= 1)
                def _():
                    p1_wwait(t - 1, cbuf[nb], wsem[nb])

                p1_read(t + 1, cbuf[nb], psem[nb])
                p1_wait(t, cbuf[b], psem[b])
                p1_write(t, cbuf[b], wsem[b])
            return c2

        lax.fori_loop(0, (t_hi + 1) // 2, p1_pair, 0)
        if t_hi % 2 == 0:
            p1_wwait(t_hi - 1, cbuf[(t_hi - 1) % 2], wsem[(t_hi - 1) % 2])

        pltpu.sync_copy(fbuf, tbl3.at[pl.ds(vocab + wid, 1)])

        def poll_cond(cnt):
            return cnt < NW * LANES

        def poll_body(cnt):
            pltpu.sync_copy(tbl3.at[pl.ds(vocab, NW)], pbuf)
            c = jnp.int32(0)
            for r in range(NW):
                v = pbuf[r, pl.ds(0, LANES)]
                m = (v == expv).astype(jnp.int32)
                c = c + jnp.sum(m)
            return c

        lax.while_loop(poll_cond, poll_body, jnp.int32(0))

        def scale(buf):
            def row(r, c3):
                for cc in range(D_MODEL // LANES):
                    sl = pl.ds(cc * LANES, LANES)
                    buf[r, sl] = buf[r, sl] * SCALE
                return c3

            lax.fori_loop(0, STEP, row, 0, unroll=4)

        gsem = (gsem0, gsem1)
        ssem = (ssem0, ssem1)
        pltpu.async_copy(tbl3.at[idx_v.at[0]], obuf0, gsem0)

        def pair(i, carry):
            g0 = i * 2
            for b in range(2):
                g = g0 + b
                nb = 1 - b

                @pl.when(g + 1 < n_steps)
                def _():
                    pltpu.async_copy(
                        tbl3.at[idx_v.at[g + 1]], obuf[nb], gsem[nb])

                pltpu.make_async_copy(
                    tbl3.at[idx_v.at[g]], obuf[b], gsem[b]).wait()

                @pl.when(g >= 2)
                def _():
                    pltpu.make_async_copy(
                        obuf[b], out_hbm.at[wid, g], ssem[b]).wait()

                scale(obuf[b])
                pltpu.async_copy(obuf[b], out_hbm.at[wid, g], ssem[b])
            return carry

        lax.fori_loop(0, n_steps // 2, pair, 0)

        pltpu.make_async_copy(obuf0, out_hbm.at[wid, 0], ssem0).wait()
        pltpu.make_async_copy(obuf1, out_hbm.at[wid, 0], ssem1).wait()

    return k


def kernel(x, table):
    b, s = x.shape
    total = b * s
    assert total % (NW * STEP) == 0 and (total // (NW * STEP)) % 2 == 0
    n_steps = total // (NW * STEP)
    v, d = table.shape
    xf = x.reshape(-1).astype(jnp.int32).reshape(NW, n_steps, STEP)
    out = _make_kernel(n_steps, v)(xf, table)
    return out.reshape(b, s, D_MODEL)

# --- scband reference (transcript-rebuilt; emitter-appended) ---
"""Pipeline reference for scband-input-embedding-38422777430134 (READ-ONLY COPY).

The authoritative reference and input builder live on the scoring server;
editing this copy changes nothing except your own understanding.
"""

import jax, jax.numpy as jnp
import numpy as np
import math

VOCAB = 1000000
D_MODEL = 64

def setup_inputs(seed: int = 0) -> dict:
    key = jax.random.key(seed)
    k1, k2 = jax.random.split(key)
    x = jax.random.randint(k1, (4096, 200), 0, VOCAB, dtype=jnp.int64 if jax.config.jax_enable_x64 else jnp.int32)
    table = jax.random.normal(k2, (VOCAB, D_MODEL), dtype=jnp.float32)
    return {"x": x, "table": table}

def reference(x, table):
    # nn.Embedding lookup followed by sqrt(d_model) scaling
    emb = jnp.take(table, x, axis=0)
    return emb * math.sqrt(D_MODEL)

if __name__ == "__main__":
    import jax
    _d = setup_inputs()
    print(jax.jit(kernel)(*tuple(_d.values())))

</pallas_src>

<mosaic_0001>
#map = affine_map<(d0, d1) -> (0, 0, 0)>
#map1 = affine_map<(d0, d1) -> (0, 0)>
#map2 = affine_map<(d0, d1) -> (0, 0, 0, 0)>
module attributes {stable_mosaic.version = 14 : i64} {
  func.func @k(%arg0: i32, %arg1: i32, %arg2: memref<32x200x128xi32, #tpu.memory_space<hbm>>, %arg3: memref<1000000x64xf32, #tpu.memory_space<hbm>>, %arg4: memref<32x200x128x64xf32, #tpu.memory_space<hbm>>, %arg5: memref<1000032x64xf32, #tpu.memory_space<hbm>>, %arg6: memref<200x128xi32, #tpu.memory_space<vmem>>, %arg7: memref<8x64xf32, #tpu.memory_space<vmem>>, %arg8: memref<1x64xf32, #tpu.memory_space<vmem>>, %arg9: memref<32x64xf32, #tpu.memory_space<vmem>>, %arg10: memref<128x64xf32, #tpu.memory_space<vmem>>, %arg11: memref<128x64xf32, #tpu.memory_space<vmem>>, %arg12: memref<128x64xf32, #tpu.memory_space<vmem>>, %arg13: memref<128x64xf32, #tpu.memory_space<vmem>>, %arg14: memref<!tpu.dma_semaphore, #tpu.memory_space<semaphore_mem>>, %arg15: memref<!tpu.dma_semaphore, #tpu.memory_space<semaphore_mem>>, %arg16: memref<!tpu.dma_semaphore, #tpu.memory_space<semaphore_mem>>, %arg17: memref<!tpu.dma_semaphore, #tpu.memory_space<semaphore_mem>>, %arg18: memref<!tpu.dma_semaphore, #tpu.memory_space<semaphore_mem>>, %arg19: memref<!tpu.dma_semaphore, #tpu.memory_space<semaphore_mem>>, %arg20: memref<!tpu.dma_semaphore, #tpu.memory_space<semaphore_mem>>, %arg21: memref<!tpu.dma_semaphore, #tpu.memory_space<semaphore_mem>>) attributes {dimension_semantics = [#tpu.dimension_semantics<core_parallel>, #tpu.dimension_semantics<subcore_parallel>], iteration_bounds = array<i64: 2, 16>, scalar_prefetch = 0 : i64, scratch_operands = 17 : i64, tpu.core_type = #tpu.core_type<sc_vector_subcore>, window_params = [{transform_indices = #map}, {transform_indices = #map1}, {transform_indices = #map2}]} {
    %mul3A = arith.constant 2 : i32
    %mul3A_0 = arith.muli %arg1, %mul3A : i32
    %add3A = arith.addi %mul3A_0, %arg0 : i32
    "tpu.region"() ({
      %run_scoped3A = tpu.sem_alloc : memref<!tpu.dma_semaphore, #tpu.memory_space<semaphore_mem>>
      %dma_start3A_70 = arith.constant 0 : i32
      %dma_start3A_71 = arith.constant 0 : i32
      %dma_start3A_72 = tpu.memref_slice %arg3[%dma_start3A_70, %dma_start3A_71] : memref<1000000x64xf32, #tpu.memory_space<hbm>> -> memref<8x64xf32, #tpu.memory_space<hbm>>
      %dma_start3A_73 = arith.constant 0 : i32
      %dma_start3A_74 = arith.constant 0 : i32
      %dma_start3A_75 = tpu.memref_slice %arg3[%dma_start3A_73, %dma_start3A_74] : memref<1000000x64xf32, #tpu.memory_space<hbm>> -> memref<8x64xf32, #tpu.memory_space<hbm>>
      tpu.enqueue_dma source(%dma_start3A_75 : memref<8x64xf32, #tpu.memory_space<hbm>>) target(%arg7 : memref<8x64xf32, #tpu.memory_space<vmem>>) target_semaphore(%run_scoped3A : memref<!tpu.dma_semaphore, #tpu.memory_space<semaphore_mem>>)
      %dma_wait3A_76 = arith.constant 0 : i32
      %dma_wait3A_77 = arith.constant 0 : i32
      %dma_wait3A_78 = tpu.memref_slice %arg3[%dma_wait3A_76, %dma_wait3A_77] : memref<1000000x64xf32, #tpu.memory_space<hbm>> -> memref<8x64xf32, #tpu.memory_space<hbm>>
      %dma_wait3A_79 = arith.constant 0 : i32
      %dma_wait3A_80 = arith.constant 0 : i32
      %dma_wait3A_81 = tpu.memref_slice %arg3[%dma_wait3A_79, %dma_wait3A_80] : memref<1000000x64xf32, #tpu.memory_space<hbm>> -> memref<8x64xf32, #tpu.memory_space<hbm>>
      tpu.wait_dma2 semaphore(%run_scoped3A : memref<!tpu.dma_semaphore, #tpu.memory_space<semaphore_mem>>) src(%dma_wait3A_81 : memref<8x64xf32, #tpu.memory_space<hbm>>) dst(%arg7 : memref<8x64xf32, #tpu.memory_space<vmem>>)
      tpu.yield
    }) : () -> ()
    %get3A = arith.constant 0 : i32
    %get3A_1 = arith.index_cast %get3A : i32 to index
    %get3A_2 = arith.constant 0 : index
    %get3A_3 = tpu.vector_load %arg7[%get3A_1, %get3A_2] {strides = array<i32>} : memref<8x64xf32, #tpu.memory_space<vmem>>, vector<16xf32>,
    %mul3A_4 = arith.constant 3.000000e+00 : f32
    %mul3A_5 = vector.broadcast %mul3A_4 : f32 to vector<16xf32>
    %mul3A_6 = arith.mulf %get3A_3, %mul3A_5 : vector<16xf32>
    %add3A_7 = arith.constant 1.337000e+00 : f32
    %add3A_8 = vector.broadcast %add3A_7 : f32 to vector<16xf32>
    %add3A_9 = arith.addf %mul3A_6, %add3A_8 : vector<16xf32>
    %swap3A = arith.constant 0 : i32
    %swap3A_10 = arith.index_cast %swap3A : i32 to index
    %swap3A_11 = arith.constant 0 : index
    %swap3A_12 = tpu.vector_load %arg8[%swap3A_10, %swap3A_11] {strides = array<i32>} : memref<1x64xf32, #tpu.memory_space<vmem>>, vector<16xf32>,
    tpu.vector_store %arg8[%swap3A_10, %swap3A_11], %add3A_9 {strides = array<i32>} : memref<1x64xf32, #tpu.memory_space<vmem>>, vector<16xf32>,
    %swap3A_13 = arith.constant 0 : i32
    %swap3A_14 = arith.index_cast %swap3A_13 : i32 to index
    %swap3A_15 = arith.constant 16 : index
    %swap3A_16 = tpu.vector_load %arg8[%swap3A_14, %swap3A_15] {strides = array<i32>} : memref<1x64xf32, #tpu.memory_space<vmem>>, vector<16xf32>,
    tpu.vector_store %arg8[%swap3A_14, %swap3A_15], %add3A_9 {strides = array<i32>} : memref<1x64xf32, #tpu.memory_space<vmem>>, vector<16xf32>,
    %swap3A_17 = arith.constant 0 : i32
    %swap3A_18 = arith.index_cast %swap3A_17 : i32 to index
    %swap3A_19 = arith.constant 32 : index
    %swap3A_20 = tpu.vector_load %arg8[%swap3A_18, %swap3A_19] {strides = array<i32>} : memref<1x64xf32, #tpu.memory_space<vmem>>, vector<16xf32>,
    tpu.vector_store %arg8[%swap3A_18, %swap3A_19], %add3A_9 {strides = array<i32>} : memref<1x64xf32, #tpu.memory_space<vmem>>, vector<16xf32>,
    %swap3A_21 = arith.constant 0 : i32
    %swap3A_22 = arith.index_cast %swap3A_21 : i32 to index
    %swap3A_23 = arith.constant 48 : index
    %swap3A_24 = tpu.vector_load %arg8[%swap3A_22, %swap3A_23] {strides = array<i32>} : memref<1x64xf32, #tpu.memory_space<vmem>>, vector<16xf32>,
    tpu.vector_store %arg8[%swap3A_22, %swap3A_23], %add3A_9 {strides = array<i32>} : memref<1x64xf32, #tpu.memory_space<vmem>>, vector<16xf32>,
    "tpu.region"() ({
      %run_scoped3A = tpu.sem_alloc : memref<!tpu.dma_semaphore, #tpu.memory_space<semaphore_mem>>
      %dma_start3A_70 = arith.constant 0 : i32
      %dma_start3A_71 = arith.constant 0 : i32
      %dma_start3A_72 = tpu.memref_slice %arg2[%add3A, %dma_start3A_70, %dma_start3A_71] : memref<32x200x128xi32, #tpu.memory_space<hbm>> -> memref<1x200x128xi32, #tpu.memory_space<hbm>>
      %dma_start3A_73 = tpu.memref_squeeze %dma_start3A_72 : memref<1x200x128xi32, #tpu.memory_space<hbm>> -> memref<200x128xi32, #tpu.memory_space<hbm>>
      %dma_start3A_74 = arith.constant 0 : i32
      %dma_start3A_75 = arith.constant 0 : i32
      %dma_start3A_76 = tpu.memref_slice %arg2[%add3A, %dma_start3A_74, %dma_start3A_75] : memref<32x200x128xi32, #tpu.memory_space<hbm>> -> memref<1x200x128xi32, #tpu.memory_space<hbm>>
      %dma_start3A_77 = tpu.memref_squeeze %dma_start3A_76 : memref<1x200x128xi32, #tpu.memory_space<hbm>> -> memref<200x128xi32, #tpu.memory_space<hbm>>
      tpu.enqueue_dma source(%dma_start3A_77 : memref<200x128xi32, #tpu.memory_space<hbm>>) target(%arg6 : memref<200x128xi32, #tpu.memory_space<vmem>>) target_semaphore(%run_scoped3A : memref<!tpu.dma_semaphore, #tpu.memory_space<semaphore_mem>>)
      %dma_wait3A_78 = arith.constant 0 : i32
      %dma_wait3A_79 = arith.constant 0 : i32
      %dma_wait3A_80 = tpu.memref_slice %arg2[%add3A, %dma_wait3A_78, %dma_wait3A_79] : memref<32x200x128xi32, #tpu.memory_space<hbm>> -> memref<1x200x128xi32, #tpu.memory_space<hbm>>
      %dma_wait3A_81 = tpu.memref_squeeze %dma_wait3A_80 : memref<1x200x128xi32, #tpu.memory_space<hbm>> -> memref<200x128xi32, #tpu.memory_space<hbm>>
      %dma_wait3A_82 = arith.constant 0 : i32
      %dma_wait3A_83 = arith.constant 0 : i32
      %dma_wait3A_84 = tpu.memref_slice %arg2[%add3A, %dma_wait3A_82, %dma_wait3A_83] : memref<32x200x128xi32, #tpu.memory_space<hbm>> -> memref<1x200x128xi32, #tpu.memory_space<hbm>>
      %dma_wait3A_85 = tpu.memref_squeeze %dma_wait3A_84 : memref<1x200x128xi32, #tpu.memory_space<hbm>> -> memref<200x128xi32, #tpu.memory_space<hbm>>
      tpu.wait_dma2 semaphore(%run_scoped3A : memref<!tpu.dma_semaphore, #tpu.memory_space<semaphore_mem>>) src(%dma_wait3A_85 : memref<200x128xi32, #tpu.memory_space<hbm>>) dst(%arg6 : memref<200x128xi32, #tpu.memory_space<vmem>>)
      tpu.yield
    }) : () -> ()
    %add3A_25 = arith.constant 0 : i32
    %add3A_26 = arith.addi %add3A, %add3A_25 : i32
    %lt3A = arith.constant 7812 : i32
    %lt3A_27 = arith.cmpi slt, %add3A_26, %lt3A : i32
    %convert_element_type3A = arith.extui %lt3A_27 : i1 to i32
    %cond3A = arith.constant 0 : i32
    %cond3A_28 = arith.cmpi ne, %convert_element_type3A, %cond3A : i32
    scf.if %cond3A_28 {
      %mul3A_70 = arith.constant 128 : i32
      %mul3A_71 = arith.muli %add3A_26, %mul3A_70 : i32
      %dma_start3A_72 = arith.constant 0 : i32
      %dma_start3A_73 = tpu.memref_slice %arg3[%mul3A_71, %dma_start3A_72] : memref<1000000x64xf32, #tpu.memory_space<hbm>> -> memref<128x64xf32, #tpu.memory_space<hbm>>
      %dma_start3A_74 = arith.constant 0 : i32
      %dma_start3A_75 = tpu.memref_slice %arg3[%mul3A_71, %dma_start3A_74] : memref<1000000x64xf32, #tpu.memory_space<hbm>> -> memref<128x64xf32, #tpu.memory_space<hbm>>
      tpu.enqueue_dma source(%dma_start3A_75 : memref<128x64xf32, #tpu.memory_space<hbm>>) target(%arg12 : memref<128x64xf32, #tpu.memory_space<vmem>>) target_semaphore(%arg14 : memref<!tpu.dma_semaphore, #tpu.memory_space<semaphore_mem>>)
    } else {
    }
    %eq3A = arith.constant 7812 : i32
    %eq3A_29 = arith.cmpi eq, %add3A_26, %eq3A : i32
    %convert_element_type3A_30 = arith.extui %eq3A_29 : i1 to i32
    %cond3A_31 = arith.constant 0 : i32
    %cond3A_32 = arith.cmpi ne, %convert_element_type3A_30, %cond3A_31 : i32
    scf.if %cond3A_32 {
      %dma_start3A_70 = arith.constant 0 : i32
      %dma_start3A_71 = arith.constant 0 : i32
      %dma_start3A_72 = tpu.memref_slice %arg12[%dma_start3A_70, %dma_start3A_71] : memref<128x64xf32, #tpu.memory_space<vmem>> -> memref<64x64xf32, #tpu.memory_space<vmem>>
      %dma_start3A_73 = arith.constant 999936 : i32
      %dma_start3A_74 = arith.constant 0 : i32
      %dma_start3A_75 = tpu.memref_slice %arg3[%dma_start3A_73, %dma_start3A_74] : memref<1000000x64xf32, #tpu.memory_space<hbm>> -> memref<64x64xf32, #tpu.memory_space<hbm>>
      %dma_start3A_76 = arith.constant 0 : i32
      %dma_start3A_77 = arith.constant 0 : i32
      %dma_start3A_78 = tpu.memref_slice %arg12[%dma_start3A_76, %dma_start3A_77] : memref<128x64xf32, #tpu.memory_space<vmem>> -> memref<64x64xf32, #tpu.memory_space<vmem>>
      %dma_start3A_79 = arith.constant 999936 : i32
      %dma_start3A_80 = arith.constant 0 : i32
      %dma_start3A_81 = tpu.memref_slice %arg3[%dma_start3A_79, %dma_start3A_80] : memref<1000000x64xf32, #tpu.memory_space<hbm>> -> memref<64x64xf32, #tpu.memory_space<hbm>>
      tpu.enqueue_dma source(%dma_start3A_81 : memref<64x64xf32, #tpu.memory_space<hbm>>) target(%dma_start3A_78 : memref<64x64xf32, #tpu.memory_space<vmem>>) target_semaphore(%arg14 : memref<!tpu.dma_semaphore, #tpu.memory_space<semaphore_mem>>)
    } else {
    }
    %scan3A = arith.constant 0 : i32
    %scan3A_33 = arith.constant 0 : i32
    %scan3A_34 = arith.constant 123 : i32
    %scan3A_35 = arith.addi %scan3A_33, %scan3A_34 : i32
    %scan3A_36 = arith.constant 1 : i32
    scf.for %scan3A_70 = %scan3A_33 to %scan3A_35 step %scan3A_36  : i32 {
      %mul3A_71 = arith.constant 2 : i32
      %mul3A_72 = arith.muli %scan3A_70, %mul3A_71 : i32
      %add3A_73 = arith.constant 0 : i32
      %add3A_74 = arith.addi %mul3A_72, %add3A_73 : i32
      %ge3A = arith.constant 1 : i32
      %ge3A_75 = arith.cmpi sge, %add3A_74, %ge3A : i32
      %convert_element_type3A_76 = arith.extui %ge3A_75 : i1 to i32
      %cond3A_77 = arith.constant 0 : i32
      %cond3A_78 = arith.cmpi ne, %convert_element_type3A_76, %cond3A_77 : i32
      scf.if %cond3A_78 {
        %sub3A = arith.constant 1 : i32
        %sub3A_168 = arith.subi %add3A_74, %sub3A : i32
        %mul3A_169 = arith.constant 32 : i32
        %mul3A_170 = arith.muli %sub3A_168, %mul3A_169 : i32
        %add3A_171 = arith.addi %add3A, %mul3A_170 : i32
        %lt3A_172 = arith.constant 7812 : i32
        %lt3A_173 = arith.cmpi slt, %add3A_171, %lt3A_172 : i32
        %convert_element_type3A_174 = arith.extui %lt3A_173 : i1 to i32
        %cond3A_175 = arith.constant 0 : i32
        %cond3A_176 = arith.cmpi ne, %convert_element_type3A_174, %cond3A_175 : i32
        scf.if %cond3A_176 {
          %mul3A_182 = arith.constant 128 : i32
          %mul3A_183 = arith.muli %add3A_171, %mul3A_182 : i32
          %dma_wait3A_184 = arith.constant 0 : i32
          %dma_wait3A_185 = tpu.memref_slice %arg5[%mul3A_183, %dma_wait3A_184] : memref<1000032x64xf32, #tpu.memory_space<hbm>> -> memref<128x64xf32, #tpu.memory_space<hbm>>
          %dma_wait3A_186 = arith.constant 0 : i32
          %dma_wait3A_187 = tpu.memref_slice %arg5[%mul3A_183, %dma_wait3A_186] : memref<1000032x64xf32, #tpu.memory_space<hbm>> -> memref<128x64xf32, #tpu.memory_space<hbm>>
          tpu.wait_dma2 semaphore(%arg21 : memref<!tpu.dma_semaphore, #tpu.memory_space<semaphore_mem>>) src(%arg13 : memref<128x64xf32, #tpu.memory_space<vmem>>) dst(%dma_wait3A_187 : memref<128x64xf32, #tpu.memory_space<hbm>>)
        } else {
        }
        %eq3A_177 = arith.constant 7812 : i32
        %eq3A_178 = arith.cmpi eq, %add3A_171, %eq3A_177 : i32
        %convert_element_type3A_179 = arith.extui %eq3A_178 : i1 to i32
        %cond3A_180 = arith.constant 0 : i32
        %cond3A_181 = arith.cmpi ne, %convert_element_type3A_179, %cond3A_180 : i32
        scf.if %cond3A_181 {
          %dma_wait3A_182 = arith.constant 0 : i32
          %dma_wait3A_183 = arith.constant 0 : i32
          %dma_wait3A_184 = tpu.memref_slice %arg13[%dma_wait3A_182, %dma_wait3A_183] : memref<128x64xf32, #tpu.memory_space<vmem>> -> memref<64x64xf32, #tpu.memory_space<vmem>>
          %dma_wait3A_185 = arith.constant 999936 : i32
          %dma_wait3A_186 = arith.constant 0 : i32
          %dma_wait3A_187 = tpu.memref_slice %arg5[%dma_wait3A_185, %dma_wait3A_186] : memref<1000032x64xf32, #tpu.memory_space<hbm>> -> memref<64x64xf32, #tpu.memory_space<hbm>>
          %dma_wait3A_188 = arith.constant 999936 : i32
          %dma_wait3A_189 = arith.constant 0 : i32
          %dma_wait3A_190 = tpu.memref_slice %arg5[%dma_wait3A_188, %dma_wait3A_189] : memref<1000032x64xf32, #tpu.memory_space<hbm>> -> memref<64x64xf32, #tpu.memory_space<hbm>>
          %dma_wait3A_191 = arith.constant 0 : i32
          %dma_wait3A_192 = arith.constant 0 : i32
          %dma_wait3A_193 = tpu.memref_slice %arg13[%dma_wait3A_191, %dma_wait3A_192] : memref<128x64xf32, #tpu.memory_space<vmem>> -> memref<64x64xf32, #tpu.memory_space<vmem>>
          tpu.wait_dma2 semaphore(%arg21 : memref<!tpu.dma_semaphore, #tpu.memory_space<semaphore_mem>>) src(%dma_wait3A_193 : memref<64x64xf32, #tpu.memory_space<vmem>>) dst(%dma_wait3A_190 : memref<64x64xf32, #tpu.memory_space<hbm>>)
        } else {
        }
      } else {
      }
      %add3A_79 = arith.constant 1 : i32
      %add3A_80 = arith.addi %add3A_74, %add3A_79 : i32
      %mul3A_81 = arith.constant 32 : i32
      %mul3A_82 = arith.muli %add3A_80, %mul3A_81 : i32
      %add3A_83 = arith.addi %add3A, %mul3A_82 : i32
      %lt3A_84 = arith.constant 7812 : i32
      %lt3A_85 = arith.cmpi slt, %add3A_83, %lt3A_84 : i32
      %convert_element_type3A_86 = arith.extui %lt3A_85 : i1 to i32
      %cond3A_87 = arith.constant 0 : i32
      %cond3A_88 = arith.cmpi ne, %convert_element_type3A_86, %cond3A_87 : i32
      scf.if %cond3A_88 {
        %mul3A_168 = arith.constant 128 : i32
        %mul3A_169 = arith.muli %add3A_83, %mul3A_168 : i32
        %dma_start3A_170 = arith.constant 0 : i32
        %dma_start3A_171 = tpu.memref_slice %arg3[%mul3A_169, %dma_start3A_170] : memref<1000000x64xf32, #tpu.memory_space<hbm>> -> memref<128x64xf32, #tpu.memory_space<hbm>>
        %dma_start3A_172 = arith.constant 0 : i32
        %dma_start3A_173 = tpu.memref_slice %arg3[%mul3A_169, %dma_start3A_172] : memref<1000000x64xf32, #tpu.memory_space<hbm>> -> memref<128x64xf32, #tpu.memory_space<hbm>>
        tpu.enqueue_dma source(%dma_start3A_173 : memref<128x64xf32, #tpu.memory_space<hbm>>) target(%arg13 : memref<128x64xf32, #tpu.memory_space<vmem>>) target_semaphore(%arg15 : memref<!tpu.dma_semaphore, #tpu.memory_space<semaphore_mem>>)
      } else {
      }
      %eq3A_89 = arith.constant 7812 : i32
      %eq3A_90 = arith.cmpi eq, %add3A_83, %eq3A_89 : i32
      %convert_element_type3A_91 = arith.extui %eq3A_90 : i1 to i32
      %cond3A_92 = arith.constant 0 : i32
      %cond3A_93 = arith.cmpi ne, %convert_element_type3A_91, %cond3A_92 : i32
      scf.if %cond3A_93 {
        %dma_start3A_168 = arith.constant 0 : i32
        %dma_start3A_169 = arith.constant 0 : i32
        %dma_start3A_170 = tpu.memref_slice %arg13[%dma_start3A_168, %dma_start3A_169] : memref<128x64xf32, #tpu.memory_space<vmem>> -> memref<64x64xf32, #tpu.memory_space<vmem>>
        %dma_start3A_171 = arith.constant 999936 : i32
        %dma_start3A_172 = arith.constant 0 : i32
        %dma_start3A_173 = tpu.memref_slice %arg3[%dma_start3A_171, %dma_start3A_172] : memref<1000000x64xf32, #tpu.memory_space<hbm>> -> memref<64x64xf32, #tpu.memory_space<hbm>>
        %dma_start3A_174 = arith.constant 0 : i32
        %dma_start3A_175 = arith.constant 0 : i32
        %dma_start3A_176 = tpu.memref_slice %arg13[%dma_start3A_174, %dma_start3A_175] : memref<128x64xf32, #tpu.memory_space<vmem>> -> memref<64x64xf32, #tpu.memory_space<vmem>>
        %dma_start3A_177 = arith.constant 999936 : i32
        %dma_start3A_178 = arith.constant 0 : i32
        %dma_start3A_179 = tpu.memref_slice %arg3[%dma_start3A_177, %dma_start3A_178] : memref<1000000x64xf32, #tpu.memory_space<hbm>> -> memref<64x64xf32, #tpu.memory_space<hbm>>
        tpu.enqueue_dma source(%dma_start3A_179 : memref<64x64xf32, #tpu.memory_space<hbm>>) target(%dma_start3A_176 : memref<64x64xf32, #tpu.memory_space<vmem>>) target_semaphore(%arg15 : memref<!tpu.dma_semaphore, #tpu.memory_space<semaphore_mem>>)
      } else {
      }
      %mul3A_94 = arith.constant 32 : i32
      %mul3A_95 = arith.muli %add3A_74, %mul3A_94 : i32
      %add3A_96 = arith.addi %add3A, %mul3A_95 : i32
      %lt3A_97 = arith.constant 7812 : i32
      %lt3A_98 = arith.cmpi slt, %add3A_96, %lt3A_97 : i32
      %convert_element_type3A_99 = arith.extui %lt3A_98 : i1 to i32
      %cond3A_100 = arith.constant 0 : i32
      %cond3A_101 = arith.cmpi ne, %convert_element_type3A_99, %cond3A_100 : i32
      scf.if %cond3A_101 {
        %mul3A_168 = arith.constant 128 : i32
        %mul3A_169 = arith.muli %add3A_96, %mul3A_168 : i32
        %dma_wait3A_170 = arith.constant 0 : i32
        %dma_wait3A_171 = tpu.memref_slice %arg3[%mul3A_169, %dma_wait3A_170] : memref<1000000x64xf32, #tpu.memory_space<hbm>> -> memref<128x64xf32, #tpu.memory_space<hbm>>
        %dma_wait3A_172 = arith.constant 0 : i32
        %dma_wait3A_173 = tpu.memref_slice %arg3[%mul3A_169, %dma_wait3A_172] : memref<1000000x64xf32, #tpu.memory_space<hbm>> -> memref<128x64xf32, #tpu.memory_space<hbm>>
        tpu.wait_dma2 semaphore(%arg14 : memref<!tpu.dma_semaphore, #tpu.memory_space<semaphore_mem>>) src(%dma_wait3A_173 : memref<128x64xf32, #tpu.memory_space<hbm>>) dst(%arg12 : memref<128x64xf32, #tpu.memory_space<vmem>>)
      } else {
      }
      %eq3A_102 = arith.constant 7812 : i32
      %eq3A_103 = arith.cmpi eq, %add3A_96, %eq3A_102 : i32
      %convert_element_type3A_104 = arith.extui %eq3A_103 : i1 to i32
      %cond3A_105 = arith.constant 0 : i32
      %cond3A_106 = arith.cmpi ne, %convert_element_type3A_104, %cond3A_105 : i32
      scf.if %cond3A_106 {
        %dma_wait3A_168 = arith.constant 0 : i32
        %dma_wait3A_169 = arith.constant 0 : i32
        %dma_wait3A_170 = tpu.memref_slice %arg12[%dma_wait3A_168, %dma_wait3A_169] : memref<128x64xf32, #tpu.memory_space<vmem>> -> memref<64x64xf32, #tpu.memory_space<vmem>>
        %dma_wait3A_171 = arith.constant 999936 : i32
        %dma_wait3A_172 = arith.constant 0 : i32
        %dma_wait3A_173 = tpu.memref_slice %arg3[%dma_wait3A_171, %dma_wait3A_172] : memref<1000000x64xf32, #tpu.memory_space<hbm>> -> memref<64x64xf32, #tpu.memory_space<hbm>>
        %dma_wait3A_174 = arith.constant 0 : i32
        %dma_wait3A_175 = arith.constant 0 : i32
        %dma_wait3A_176 = tpu.memref_slice %arg12[%dma_wait3A_174, %dma_wait3A_175] : memref<128x64xf32, #tpu.memory_space<vmem>> -> memref<64x64xf32, #tpu.memory_space<vmem>>
        %dma_wait3A_177 = arith.constant 999936 : i32
        %dma_wait3A_178 = arith.constant 0 : i32
        %dma_wait3A_179 = tpu.memref_slice %arg3[%dma_wait3A_177, %dma_wait3A_178] : memref<1000000x64xf32, #tpu.memory_space<hbm>> -> memref<64x64xf32, #tpu.memory_space<hbm>>
        tpu.wait_dma2 semaphore(%arg14 : memref<!tpu.dma_semaphore, #tpu.memory_space<semaphore_mem>>) src(%dma_wait3A_179 : memref<64x64xf32, #tpu.memory_space<hbm>>) dst(%dma_wait3A_176 : memref<64x64xf32, #tpu.memory_space<vmem>>)
      } else {
      }
      %mul3A_107 = arith.constant 32 : i32
      %mul3A_108 = arith.muli %add3A_74, %mul3A_107 : i32
      %add3A_109 = arith.addi %add3A, %mul3A_108 : i32
      %lt3A_110 = arith.constant 7812 : i32
      %lt3A_111 = arith.cmpi slt, %add3A_109, %lt3A_110 : i32
      %convert_element_type3A_112 = arith.extui %lt3A_111 : i1 to i32
      %cond3A_113 = arith.constant 0 : i32
      %cond3A_114 = arith.cmpi ne, %convert_element_type3A_112, %cond3A_113 : i32
      scf.if %cond3A_114 {
        %mul3A_168 = arith.constant 128 : i32
        %mul3A_169 = arith.muli %add3A_109, %mul3A_168 : i32
        %dma_start3A_170 = arith.constant 0 : i32
        %dma_start3A_171 = tpu.memref_slice %arg5[%mul3A_169, %dma_start3A_170] : memref<1000032x64xf32, #tpu.memory_space<hbm>> -> memref<128x64xf32, #tpu.memory_space<hbm>>
        %dma_start3A_172 = arith.constant 0 : i32
        %dma_start3A_173 = tpu.memref_slice %arg5[%mul3A_169, %dma_start3A_172] : memref<1000032x64xf32, #tpu.memory_space<hbm>> -> memref<128x64xf32, #tpu.memory_space<hbm>>
        tpu.enqueue_dma source(%arg12 : memref<128x64xf32, #tpu.memory_space<vmem>>) target(%dma_start3A_173 : memref<128x64xf32, #tpu.memory_space<hbm>>) target_semaphore(%arg20 : memref<!tpu.dma_semaphore, #tpu.memory_space<semaphore_mem>>)
      } else {
      }
      %eq3A_115 = arith.constant 7812 : i32
      %eq3A_116 = arith.cmpi eq, %add3A_109, %eq3A_115 : i32
      %convert_element_type3A_117 = arith.extui %eq3A_116 : i1 to i32
      %cond3A_118 = arith.constant 0 : i32
      %cond3A_119 = arith.cmpi ne, %convert_element_type3A_117, %cond3A_118 : i32
      scf.if %cond3A_119 {
        %dma_start3A_168 = arith.constant 0 : i32
        %dma_start3A_169 = arith.constant 0 : i32
        %dma_start3A_170 = tpu.memref_slice %arg12[%dma_start3A_168, %dma_start3A_169] : memref<128x64xf32, #tpu.memory_space<vmem>> -> memref<64x64xf32, #tpu.memory_space<vmem>>
        %dma_start3A_171 = arith.constant 999936 : i32
        %dma_start3A_172 = arith.constant 0 : i32
        %dma_start3A_173 = tpu.memref_slice %arg5[%dma_start3A_171, %dma_start3A_172] : memref<1000032x64xf32, #tpu.memory_space<hbm>> -> memref<64x64xf32, #tpu.memory_space<hbm>>
        %dma_start3A_174 = arith.constant 999936 : i32
        %dma_start3A_175 = arith.constant 0 : i32
        %dma_start3A_176 = tpu.memref_slice %arg5[%dma_start3A_174, %dma_start3A_175] : memref<1000032x64xf32, #tpu.memory_space<hbm>> -> memref<64x64xf32, #tpu.memory_space<hbm>>
        %dma_start3A_177 = arith.constant 0 : i32
        %dma_start3A_178 = arith.constant 0 : i32
        %dma_start3A_179 = tpu.memref_slice %arg12[%dma_start3A_177, %dma_start3A_178] : memref<128x64xf32, #tpu.memory_space<vmem>> -> memref<64x64xf32, #tpu.memory_space<vmem>>
        tpu.enqueue_dma source(%dma_start3A_179 : memref<64x64xf32, #tpu.memory_space<vmem>>) target(%dma_start3A_176 : memref<64x64xf32, #tpu.memory_space<hbm>>) target_semaphore(%arg20 : memref<!tpu.dma_semaphore, #tpu.memory_space<semaphore_mem>>)
      } else {
      }
      %add3A_120 = arith.constant 1 : i32
      %add3A_121 = arith.addi %mul3A_72, %add3A_120 : i32
      %ge3A_122 = arith.constant 1 : i32
      %ge3A_123 = arith.cmpi sge, %add3A_121, %ge3A_122 : i32
      %convert_element_type3A_124 = arith.extui %ge3A_123 : i1 to i32
      %cond3A_125 = arith.constant 0 : i32
      %cond3A_126 = arith.cmpi ne, %convert_element_type3A_124, %cond3A_125 : i32
      scf.if %cond3A_126 {
        %sub3A = arith.constant 1 : i32
        %sub3A_168 = arith.subi %add3A_121, %sub3A : i32
        %mul3A_169 = arith.constant 32 : i32
        %mul3A_170 = arith.muli %sub3A_168, %mul3A_169 : i32
        %add3A_171 = arith.addi %add3A, %mul3A_170 : i32
        %lt3A_172 = arith.constant 7812 : i32
        %lt3A_173 = arith.cmpi slt, %add3A_171, %lt3A_172 : i32
        %convert_element_type3A_174 = arith.extui %lt3A_173 : i1 to i32
        %cond3A_175 = arith.constant 0 : i32
        %cond3A_176 = arith.cmpi ne, %convert_element_type3A_174, %cond3A_175 : i32
        scf.if %cond3A_176 {
          %mul3A_182 = arith.constant 128 : i32
          %mul3A_183 = arith.muli %add3A_171, %mul3A_182 : i32
          %dma_wait3A_184 = arith.constant 0 : i32
          %dma_wait3A_185 = tpu.memref_slice %arg5[%mul3A_183, %dma_wait3A_184] : memref<1000032x64xf32, #tpu.memory_space<hbm>> -> memref<128x64xf32, #tpu.memory_space<hbm>>
          %dma_wait3A_186 = arith.constant 0 : i32
          %dma_wait3A_187 = tpu.memref_slice %arg5[%mul3A_183, %dma_wait3A_186] : memref<1000032x64xf32, #tpu.memory_space<hbm>> -> memref<128x64xf32, #tpu.memory_space<hbm>>
          tpu.wait_dma2 semaphore(%arg20 : memref<!tpu.dma_semaphore, #tpu.memory_space<semaphore_mem>>) src(%arg12 : memref<128x64xf32, #tpu.memory_space<vmem>>) dst(%dma_wait3A_187 : memref<128x64xf32, #tpu.memory_space<hbm>>)
        } else {
        }
        %eq3A_177 = arith.constant 7812 : i32
        %eq3A_178 = arith.cmpi eq, %add3A_171, %eq3A_177 : i32
        %convert_element_type3A_179 = arith.extui %eq3A_178 : i1 to i32
        %cond3A_180 = arith.constant 0 : i32
        %cond3A_181 = arith.cmpi ne, %convert_element_type3A_179, %cond3A_180 : i32
        scf.if %cond3A_181 {
          %dma_wait3A_182 = arith.constant 0 : i32
          %dma_wait3A_183 = arith.constant 0 : i32
          %dma_wait3A_184 = tpu.memref_slice %arg12[%dma_wait3A_182, %dma_wait3A_183] : memref<128x64xf32, #tpu.memory_space<vmem>> -> memref<64x64xf32, #tpu.memory_space<vmem>>
          %dma_wait3A_185 = arith.constant 999936 : i32
          %dma_wait3A_186 = arith.constant 0 : i32
          %dma_wait3A_187 = tpu.memref_slice %arg5[%dma_wait3A_185, %dma_wait3A_186] : memref<1000032x64xf32, #tpu.memory_space<hbm>> -> memref<64x64xf32, #tpu.memory_space<hbm>>
          %dma_wait3A_188 = arith.constant 999936 : i32
          %dma_wait3A_189 = arith.constant 0 : i32
          %dma_wait3A_190 = tpu.memref_slice %arg5[%dma_wait3A_188, %dma_wait3A_189] : memref<1000032x64xf32, #tpu.memory_space<hbm>> -> memref<64x64xf32, #tpu.memory_space<hbm>>
          %dma_wait3A_191 = arith.constant 0 : i32
          %dma_wait3A_192 = arith.constant 0 : i32
          %dma_wait3A_193 = tpu.memref_slice %arg12[%dma_wait3A_191, %dma_wait3A_192] : memref<128x64xf32, #tpu.memory_space<vmem>> -> memref<64x64xf32, #tpu.memory_space<vmem>>
          tpu.wait_dma2 semaphore(%arg20 : memref<!tpu.dma_semaphore, #tpu.memory_space<semaphore_mem>>) src(%dma_wait3A_193 : memref<64x64xf32, #tpu.memory_space<vmem>>) dst(%dma_wait3A_190 : memref<64x64xf32, #tpu.memory_space<hbm>>)
        } else {
        }
      } else {
      }
      %add3A_127 = arith.constant 1 : i32
      %add3A_128 = arith.addi %add3A_121, %add3A_127 : i32
      %mul3A_129 = arith.constant 32 : i32
      %mul3A_130 = arith.muli %add3A_128, %mul3A_129 : i32
      %add3A_131 = arith.addi %add3A, %mul3A_130 : i32
      %lt3A_132 = arith.constant 7812 : i32
      %lt3A_133 = arith.cmpi slt, %add3A_131, %lt3A_132 : i32
      %convert_element_type3A_134 = arith.extui %lt3A_133 : i1 to i32
      %cond3A_135 = arith.constant 0 : i32
      %cond3A_136 = arith.cmpi ne, %convert_element_type3A_134, %cond3A_135 : i32
      scf.if %cond3A_136 {
        %mul3A_168 = arith.constant 128 : i32
        %mul3A_169 = arith.muli %add3A_131, %mul3A_168 : i32
        %dma_start3A_170 = arith.constant 0 : i32
        %dma_start3A_171 = tpu.memref_slice %arg3[%mul3A_169, %dma_start3A_170] : memref<1000000x64xf32, #tpu.memory_space<hbm>> -> memref<128x64xf32, #tpu.memory_space<hbm>>
        %dma_start3A_172 = arith.constant 0 : i32
        %dma_start3A_173 = tpu.memref_slice %arg3[%mul3A_169, %dma_start3A_172] : memref<1000000x64xf32, #tpu.memory_space<hbm>> -> memref<128x64xf32, #tpu.memory_space<hbm>>
        tpu.enqueue_dma source(%dma_start3A_173 : memref<128x64xf32, #tpu.memory_space<hbm>>) target(%arg12 : memref<128x64xf32, #tpu.memory_space<vmem>>) target_semaphore(%arg14 : memref<!tpu.dma_semaphore, #tpu.memory_space<semaphore_mem>>)
      } else {
      }
      %eq3A_137 = arith.constant 7812 : i32
      %eq3A_138 = arith.cmpi eq, %add3A_131, %eq3A_137 : i32
      %convert_element_type3A_139 = arith.extui %eq3A_138 : i1 to i32
      %cond3A_140 = arith.constant 0 : i32
      %cond3A_141 = arith.cmpi ne, %convert_element_type3A_139, %cond3A_140 : i32
      scf.if %cond3A_141 {
        %dma_start3A_168 = arith.constant 0 : i32
        %dma_start3A_169 = arith.constant 0 : i32
        %dma_start3A_170 = tpu.memref_slice %arg12[%dma_start3A_168, %dma_start3A_169] : memref<128x64xf32, #tpu.memory_space<vmem>> -> memref<64x64xf32, #tpu.memory_space<vmem>>
        %dma_start3A_171 = arith.constant 999936 : i32
        %dma_start3A_172 = arith.constant 0 : i32
        %dma_start3A_173 = tpu.memref_slice %arg3[%dma_start3A_171, %dma_start3A_172] : memref<1000000x64xf32, #tpu.memory_space<hbm>> -> memref<64x64xf32, #tpu.memory_space<hbm>>
        %dma_start3A_174 = arith.constant 0 : i32
        %dma_start3A_175 = arith.constant 0 : i32
        %dma_start3A_176 = tpu.memref_slice %arg12[%dma_start3A_174, %dma_start3A_175] : memref<128x64xf32, #tpu.memory_space<vmem>> -> memref<64x64xf32, #tpu.memory_space<vmem>>
        %dma_start3A_177 = arith.constant 999936 : i32
        %dma_start3A_178 = arith.constant 0 : i32
        %dma_start3A_179 = tpu.memref_slice %arg3[%dma_start3A_177, %dma_start3A_178] : memref<1000000x64xf32, #tpu.memory_space<hbm>> -> memref<64x64xf32, #tpu.memory_space<hbm>>
        tpu.enqueue_dma source(%dma_start3A_179 : memref<64x64xf32, #tpu.memory_space<hbm>>) target(%dma_start3A_176 : memref<64x64xf32, #tpu.memory_space<vmem>>) target_semaphore(%arg14 : memref<!tpu.dma_semaphore, #tpu.memory_space<semaphore_mem>>)
      } else {
      }
      %mul3A_142 = arith.constant 32 : i32
      %mul3A_143 = arith.muli %add3A_121, %mul3A_142 : i32
      %add3A_144 = arith.addi %add3A, %mul3A_143 : i32
      %lt3A_145 = arith.constant 7812 : i32
      %lt3A_146 = arith.cmpi slt, %add3A_144, %lt3A_145 : i32
      %convert_element_type3A_147 = arith.extui %lt3A_146 : i1 to i32
      %cond3A_148 = arith.constant 0 : i32
      %cond3A_149 = arith.cmpi ne, %convert_element_type3A_147, %cond3A_148 : i32
      scf.if %cond3A_149 {
        %mul3A_168 = arith.constant 128 : i32
        %mul3A_169 = arith.muli %add3A_144, %mul3A_168 : i32
        %dma_wait3A_170 = arith.constant 0 : i32
        %dma_wait3A_171 = tpu.memref_slice %arg3[%mul3A_169, %dma_wait3A_170] : memref<1000000x64xf32, #tpu.memory_space<hbm>> -> memref<128x64xf32, #tpu.memory_space<hbm>>
        %dma_wait3A_172 = arith.constant 0 : i32
        %dma_wait3A_173 = tpu.memref_slice %arg3[%mul3A_169, %dma_wait3A_172] : memref<1000000x64xf32, #tpu.memory_space<hbm>> -> memref<128x64xf32, #tpu.memory_space<hbm>>
        tpu.wait_dma2 semaphore(%arg15 : memref<!tpu.dma_semaphore, #tpu.memory_space<semaphore_mem>>) src(%dma_wait3A_173 : memref<128x64xf32, #tpu.memory_space<hbm>>) dst(%arg13 : memref<128x64xf32, #tpu.memory_space<vmem>>)
      } else {
      }
      %eq3A_150 = arith.constant 7812 : i32
      %eq3A_151 = arith.cmpi eq, %add3A_144, %eq3A_150 : i32
      %convert_element_type3A_152 = arith.extui %eq3A_151 : i1 to i32
      %cond3A_153 = arith.constant 0 : i32
      %cond3A_154 = arith.cmpi ne, %convert_element_type3A_152, %cond3A_153 : i32
      scf.if %cond3A_154 {
        %dma_wait3A_168 = arith.constant 0 : i32
        %dma_wait3A_169 = arith.constant 0 : i32
        %dma_wait3A_170 = tpu.memref_slice %arg13[%dma_wait3A_168, %dma_wait3A_169] : memref<128x64xf32, #tpu.memory_space<vmem>> -> memref<64x64xf32, #tpu.memory_space<vmem>>
        %dma_wait3A_171 = arith.constant 999936 : i32
        %dma_wait3A_172 = arith.constant 0 : i32
        %dma_wait3A_173 = tpu.memref_slice %arg3[%dma_wait3A_171, %dma_wait3A_172] : memref<1000000x64xf32, #tpu.memory_space<hbm>> -> memref<64x64xf32, #tpu.memory_space<hbm>>
        %dma_wait3A_174 = arith.constant 0 : i32
        %dma_wait3A_175 = arith.constant 0 : i32
        %dma_wait3A_176 = tpu.memref_slice %arg13[%dma_wait3A_174, %dma_wait3A_175] : memref<128x64xf32, #tpu.memory_space<vmem>> -> memref<64x64xf32, #tpu.memory_space<vmem>>
        %dma_wait3A_177 = arith.constant 999936 : i32
        %dma_wait3A_178 = arith.constant 0 : i32
        %dma_wait3A_179 = tpu.memref_slice %arg3[%dma_wait3A_177, %dma_wait3A_178] : memref<1000000x64xf32, #tpu.memory_space<hbm>> -> memref<64x64xf32, #tpu.memory_space<hbm>>
        tpu.wait_dma2 semaphore(%arg15 : memref<!tpu.dma_semaphore, #tpu.memory_space<semaphore_mem>>) src(%dma_wait3A_179 : memref<64x64xf32, #tpu.memory_space<hbm>>) dst(%dma_wait3A_176 : memref<64x64xf32, #tpu.memory_space<vmem>>)
      } else {
      }
      %mul3A_155 = arith.constant 32 : i32
      %mul3A_156 = arith.muli %add3A_121, %mul3A_155 : i32
      %add3A_157 = arith.addi %add3A, %mul3A_156 : i32
      %lt3A_158 = arith.constant 7812 : i32
      %lt3A_159 = arith.cmpi slt, %add3A_157, %lt3A_158 : i32
      %convert_element_type3A_160 = arith.extui %lt3A_159 : i1 to i32
      %cond3A_161 = arith.constant 0 : i32
      %cond3A_162 = arith.cmpi ne, %convert_element_type3A_160, %cond3A_161 : i32
      scf.if %cond3A_162 {
        %mul3A_168 = arith.constant 128 : i32
        %mul3A_169 = arith.muli %add3A_157, %mul3A_168 : i32
        %dma_start3A_170 = arith.constant 0 : i32
        %dma_start3A_171 = tpu.memref_slice %arg5[%mul3A_169, %dma_start3A_170] : memref<1000032x64xf32, #tpu.memory_space<hbm>> -> memref<128x64xf32, #tpu.memory_space<hbm>>
        %dma_start3A_172 = arith.constant 0 : i32
        %dma_start3A_173 = tpu.memref_slice %arg5[%mul3A_169, %dma_start3A_172] : memref<1000032x64xf32, #tpu.memory_space<hbm>> -> memref<128x64xf32, #tpu.memory_space<hbm>>
        tpu.enqueue_dma source(%arg13 : memref<128x64xf32, #tpu.memory_space<vmem>>) target(%dma_start3A_173 : memref<128x64xf32, #tpu.memory_space<hbm>>) target_semaphore(%arg21 : memref<!tpu.dma_semaphore, #tpu.memory_space<semaphore_mem>>)
      } else {
      }
      %eq3A_163 = arith.constant 7812 : i32
      %eq3A_164 = arith.cmpi eq, %add3A_157, %eq3A_163 : i32
      %convert_element_type3A_165 = arith.extui %eq3A_164 : i1 to i32
      %cond3A_166 = arith.constant 0 : i32
      %cond3A_167 = arith.cmpi ne, %convert_element_type3A_165, %cond3A_166 : i32
      scf.if %cond3A_167 {
        %dma_start3A_168 = arith.constant 0 : i32
        %dma_start3A_169 = arith.constant 0 : i32
        %dma_start3A_170 = tpu.memref_slice %arg13[%dma_start3A_168, %dma_start3A_169] : memref<128x64xf32, #tpu.memory_space<vmem>> -> memref<64x64xf32, #tpu.memory_space<vmem>>
        %dma_start3A_171 = arith.constant 999936 : i32
        %dma_start3A_172 = arith.constant 0 : i32
        %dma_start3A_173 = tpu.memref_slice %arg5[%dma_start3A_171, %dma_start3A_172] : memref<1000032x64xf32, #tpu.memory_space<hbm>> -> memref<64x64xf32, #tpu.memory_space<hbm>>
        %dma_start3A_174 = arith.constant 999936 : i32
        %dma_start3A_175 = arith.constant 0 : i32
        %dma_start3A_176 = tpu.memref_slice %arg5[%dma_start3A_174, %dma_start3A_175] : memref<1000032x64xf32, #tpu.memory_space<hbm>> -> memref<64x64xf32, #tpu.memory_space<hbm>>
        %dma_start3A_177 = arith.constant 0 : i32
        %dma_start3A_178 = arith.constant 0 : i32
        %dma_start3A_179 = tpu.memref_slice %arg13[%dma_start3A_177, %dma_start3A_178] : memref<128x64xf32, #tpu.memory_space<vmem>> -> memref<64x64xf32, #tpu.memory_space<vmem>>
        tpu.enqueue_dma source(%dma_start3A_179 : memref<64x64xf32, #tpu.memory_space<vmem>>) target(%dma_start3A_176 : memref<64x64xf32, #tpu.memory_space<hbm>>) target_semaphore(%arg21 : memref<!tpu.dma_semaphore, #tpu.memory_space<semaphore_mem>>)
      } else {
      }
    }
    %scan3A_37 = arith.constant 123 : i32
    %add3A_38 = arith.constant 1000000 : i32
    %add3A_39 = arith.addi %add3A_38, %add3A : i32
    "tpu.region"() ({
      %run_scoped3A = tpu.sem_alloc : memref<!tpu.dma_semaphore, #tpu.memory_space<semaphore_mem>>
      %dma_start3A_70 = arith.constant 0 : i32
      %dma_start3A_71 = tpu.memref_slice %arg5[%add3A_39, %dma_start3A_70] : memref<1000032x64xf32, #tpu.memory_space<hbm>> -> memref<1x64xf32, #tpu.memory_space<hbm>>
      %dma_start3A_72 = arith.constant 0 : i32
      %dma_start3A_73 = tpu.memref_slice %arg5[%add3A_39, %dma_start3A_72] : memref<1000032x64xf32, #tpu.memory_space<hbm>> -> memref<1x64xf32, #tpu.memory_space<hbm>>
      tpu.enqueue_dma source(%arg8 : memref<1x64xf32, #tpu.memory_space<vmem>>) target(%dma_start3A_73 : memref<1x64xf32, #tpu.memory_space<hbm>>) target_semaphore(%run_scoped3A : memref<!tpu.dma_semaphore, #tpu.memory_space<semaphore_mem>>)
      %dma_wait3A_74 = arith.constant 0 : i32
      %dma_wait3A_75 = tpu.memref_slice %arg5[%add3A_39, %dma_wait3A_74] : memref<1000032x64xf32, #tpu.memory_space<hbm>> -> memref<1x64xf32, #tpu.memory_space<hbm>>
      %dma_wait3A_76 = arith.constant 0 : i32
      %dma_wait3A_77 = tpu.memref_slice %arg5[%add3A_39, %dma_wait3A_76] : memref<1000032x64xf32, #tpu.memory_space<hbm>> -> memref<1x64xf32, #tpu.memory_space<hbm>>
      tpu.wait_dma2 semaphore(%run_scoped3A : memref<!tpu.dma_semaphore, #tpu.memory_space<semaphore_mem>>) src(%arg8 : memref<1x64xf32, #tpu.memory_space<vmem>>) dst(%dma_wait3A_77 : memref<1x64xf32, #tpu.memory_space<hbm>>)
      tpu.yield
    }) : () -> ()
    %while3A = arith.constant 0 : i32
    %while3A_40 = scf.while (%while3A_70 = %while3A) : (i32) -> i32 {
      %lt3A_71 = arith.constant 512 : i32
      %lt3A_72 = arith.cmpi slt, %while3A_70, %lt3A_71 : i32
      scf.condition(%lt3A_72) %while3A_70 : i32
    } do {
    ^bb0(%while3A_70: i32):
      "tpu.region"() ({
        %run_scoped3A = tpu.sem_alloc : memref<!tpu.dma_semaphore, #tpu.memory_space<semaphore_mem>>
        %dma_start3A_423 = arith.constant 1000000 : i32
        %dma_start3A_424 = arith.constant 0 : i32
        %dma_start3A_425 = tpu.memref_slice %arg5[%dma_start3A_423, %dma_start3A_424] : memref<1000032x64xf32, #tpu.memory_space<hbm>> -> memref<32x64xf32, #tpu.memory_space<hbm>>
        %dma_start3A_426 = arith.constant 1000000 : i32
        %dma_start3A_427 = arith.constant 0 : i32
        %dma_start3A_428 = tpu.memref_slice %arg5[%dma_start3A_426, %dma_start3A_427] : memref<1000032x64xf32, #tpu.memory_space<hbm>> -> memref<32x64xf32, #tpu.memory_space<hbm>>
        tpu.enqueue_dma source(%dma_start3A_428 : memref<32x64xf32, #tpu.memory_space<hbm>>) target(%arg9 : memref<32x64xf32, #tpu.memory_space<vmem>>) target_semaphore(%run_scoped3A : memref<!tpu.dma_semaphore, #tpu.memory_space<semaphore_mem>>)
        %dma_wait3A_429 = arith.constant 1000000 : i32
        %dma_wait3A_430 = arith.constant 0 : i32
        %dma_wait3A_431 = tpu.memref_slice %arg5[%dma_wait3A_429, %dma_wait3A_430] : memref<1000032x64xf32, #tpu.memory_space<hbm>> -> memref<32x64xf32, #tpu.memory_space<hbm>>
        %dma_wait3A_432 = arith.constant 1000000 : i32
        %dma_wait3A_433 = arith.constant 0 : i32
        %dma_wait3A_434 = tpu.memref_slice %arg5[%dma_wait3A_432, %dma_wait3A_433] : memref<1000032x64xf32, #tpu.memory_space<hbm>> -> memref<32x64xf32, #tpu.memory_space<hbm>>
        tpu.wait_dma2 semaphore(%run_scoped3A : memref<!tpu.dma_semaphore, #tpu.memory_space<semaphore_mem>>) src(%dma_wait3A_434 : memref<32x64xf32, #tpu.memory_space<hbm>>) dst(%arg9 : memref<32x64xf32, #tpu.memory_space<vmem>>)
        tpu.yield
      }) : () -> ()
      %get3A_71 = arith.constant 0 : i32
      %get3A_72 = arith.index_cast %get3A_71 : i32 to index
      %get3A_73 = arith.constant 0 : index
      %get3A_74 = tpu.vector_load %arg9[%get3A_72, %get3A_73] {strides = array<i32>} : memref<32x64xf32, #tpu.memory_space<vmem>>, vector<16xf32>,
      %eq3A_75 = arith.cmpf oeq, %get3A_74, %add3A_9 : vector<16xf32>
      %convert_element_type3A_76 = arith.extui %eq3A_75 : vector<16xi1> to vector<16xi32>
      %reduce_sum3A = arith.constant true
      %reduce_sum3A_77 = vector.broadcast %reduce_sum3A : i1 to vector<16xi1>
      %reduce_sum3A_78 = tpu.scan <sum>, %convert_element_type3A_76 masked %reduce_sum3A_77 : vector<16xi32>, vector<16xi1> -> vector<16xi32>
      %reduce_sum3A_79 = vector.extract %reduce_sum3A_78[15] : i32 from vector<16xi32>
      %add3A_80 = arith.constant 0 : i32
      %add3A_81 = arith.addi %add3A_80, %reduce_sum3A_79 : i32
      %get3A_82 = arith.constant 1 : i32
      %get3A_83 = arith.index_cast %get3A_82 : i32 to index
      %get3A_84 = arith.constant 0 : index
      %get3A_85 = tpu.vector_load %arg9[%get3A_83, %get3A_84] {strides = array<i32>} : memref<32x64xf32, #tpu.memory_space<vmem>>, vector<16xf32>,
      %eq3A_86 = arith.cmpf oeq, %get3A_85, %add3A_9 : vector<16xf32>
      %convert_element_type3A_87 = arith.extui %eq3A_86 : vector<16xi1> to vector<16xi32>
      %reduce_sum3A_88 = arith.constant true
      %reduce_sum3A_89 = vector.broadcast %reduce_sum3A_88 : i1 to vector<16xi1>
      %reduce_sum3A_90 = tpu.scan <sum>, %convert_element_type3A_87 masked %reduce_sum3A_89 : vector<16xi32>, vector<16xi1> -> vector<16xi32>
      %reduce_sum3A_91 = vector.extract %reduce_sum3A_90[15] : i32 from vector<16xi32>
      %add3A_92 = arith.addi %add3A_81, %reduce_sum3A_91 : i32
      %get3A_93 = arith.constant 2 : i32
      %get3A_94 = arith.index_cast %get3A_93 : i32 to index
      %get3A_95 = arith.constant 0 : index
      %get3A_96 = tpu.vector_load %arg9[%get3A_94, %get3A_95] {strides = array<i32>} : memref<32x64xf32, #tpu.memory_space<vmem>>, vector<16xf32>,
      %eq3A_97 = arith.cmpf oeq, %get3A_96, %add3A_9 : vector<16xf32>
      %convert_element_type3A_98 = arith.extui %eq3A_97 : vector<16xi1> to vector<16xi32>
      %reduce_sum3A_99 = arith.constant true
      %reduce_sum3A_100 = vector.broadcast %reduce_sum3A_99 : i1 to vector<16xi1>
      %reduce_sum3A_101 = tpu.scan <sum>, %convert_element_type3A_98 masked %reduce_sum3A_100 : vector<16xi32>, vector<16xi1> -> vector<16xi32>
      %reduce_sum3A_102 = vector.extract %reduce_sum3A_101[15] : i32 from vector<16xi32>
      %add3A_103 = arith.addi %add3A_92, %reduce_sum3A_102 : i32
      %get3A_104 = arith.constant 3 : i32
      %get3A_105 = arith.index_cast %get3A_104 : i32 to index
      %get3A_106 = arith.constant 0 : index
      %get3A_107 = tpu.vector_load %arg9[%get3A_105, %get3A_106] {strides = array<i32>} : memref<32x64xf32, #tpu.memory_space<vmem>>, vector<16xf32>,
      %eq3A_108 = arith.cmpf oeq, %get3A_107, %add3A_9 : vector<16xf32>
      %convert_element_type3A_109 = arith.extui %eq3A_108 : vector<16xi1> to vector<16xi32>
      %reduce_sum3A_110 = arith.constant true
      %reduce_sum3A_111 = vector.broadcast %reduce_sum3A_110 : i1 to vector<16xi1>
      %reduce_sum3A_112 = tpu.scan <sum>, %convert_element_type3A_109 masked %reduce_sum3A_111 : vector<16xi32>, vector<16xi1> -> vector<16xi32>
      %reduce_sum3A_113 = vector.extract %reduce_sum3A_112[15] : i32 from vector<16xi32>
      %add3A_114 = arith.addi %add3A_103, %reduce_sum3A_113 : i32
      %get3A_115 = arith.constant 4 : i32
      %get3A_116 = arith.index_cast %get3A_115 : i32 to index
      %get3A_117 = arith.constant 0 : index
      %get3A_118 = tpu.vector_load %arg9[%get3A_116, %get3A_117] {strides = array<i32>} : memref<32x64xf32, #tpu.memory_space<vmem>>, vector<16xf32>,
      %eq3A_119 = arith.cmpf oeq, %get3A_118, %add3A_9 : vector<16xf32>
      %convert_element_type3A_120 = arith.extui %eq3A_119 : vector<16xi1> to vector<16xi32>
      %reduce_sum3A_121 = arith.constant true
      %reduce_sum3A_122 = vector.broadcast %reduce_sum3A_121 : i1 to vector<16xi1>
      %reduce_sum3A_123 = tpu.scan <sum>, %convert_element_type3A_120 masked %reduce_sum3A_122 : vector<16xi32>, vector<16xi1> -> vector<16xi32>
      %reduce_sum3A_124 = vector.extract %reduce_sum3A_123[15] : i32 from vector<16xi32>
      %add3A_125 = arith.addi %add3A_114, %reduce_sum3A_124 : i32
      %get3A_126 = arith.constant 5 : i32
      %get3A_127 = arith.index_cast %get3A_126 : i32 to index
      %get3A_128 = arith.constant 0 : index
      %get3A_129 = tpu.vector_load %arg9[%get3A_127, %get3A_128] {strides = array<i32>} : memref<32x64xf32, #tpu.memory_space<vmem>>, vector<16xf32>,
      %eq3A_130 = arith.cmpf oeq, %get3A_129, %add3A_9 : vector<16xf32>
      %convert_element_type3A_131 = arith.extui %eq3A_130 : vector<16xi1> to vector<16xi32>
      %reduce_sum3A_132 = arith.constant true
      %reduce_sum3A_133 = vector.broadcast %reduce_sum3A_132 : i1 to vector<16xi1>
      %reduce_sum3A_134 = tpu.scan <sum>, %convert_element_type3A_131 masked %reduce_sum3A_133 : vector<16xi32>, vector<16xi1> -> vector<16xi32>
      %reduce_sum3A_135 = vector.extract %reduce_sum3A_134[15] : i32 from vector<16xi32>
      %add3A_136 = arith.addi %add3A_125, %reduce_sum3A_135 : i32
      %get3A_137 = arith.constant 6 : i32
      %get3A_138 = arith.index_cast %get3A_137 : i32 to index
      %get3A_139 = arith.constant 0 : index
      %get3A_140 = tpu.vector_load %arg9[%get3A_138, %get3A_139] {strides = array<i32>} : memref<32x64xf32, #tpu.memory_space<vmem>>, vector<16xf32>,
      %eq3A_141 = arith.cmpf oeq, %get3A_140, %add3A_9 : vector<16xf32>
      %convert_element_type3A_142 = arith.extui %eq3A_141 : vector<16xi1> to vector<16xi32>
      %reduce_sum3A_143 = arith.constant true
      %reduce_sum3A_144 = vector.broadcast %reduce_sum3A_143 : i1 to vector<16xi1>
      %reduce_sum3A_145 = tpu.scan <sum>, %convert_element_type3A_142 masked %reduce_sum3A_144 : vector<16xi32>, vector<16xi1> -> vector<16xi32>
      %reduce_sum3A_146 = vector.extract %reduce_sum3A_145[15] : i32 from vector<16xi32>
      %add3A_147 = arith.addi %add3A_136, %reduce_sum3A_146 : i32
      %get3A_148 = arith.constant 7 : i32
      %get3A_149 = arith.index_cast %get3A_148 : i32 to index
      %get3A_150 = arith.constant 0 : index
      %get3A_151 = tpu.vector_load %arg9[%get3A_149, %get3A_150] {strides = array<i32>} : memref<32x64xf32, #tpu.memory_space<vmem>>, vector<16xf32>,
      %eq3A_152 = arith.cmpf oeq, %get3A_151, %add3A_9 : vector<16xf32>
      %convert_element_type3A_153 = arith.extui %eq3A_152 : vector<16xi1> to vector<16xi32>
      %reduce_sum3A_154 = arith.constant true
      %reduce_sum3A_155 = vector.broadcast %reduce_sum3A_154 : i1 to vector<16xi1>
      %reduce_sum3A_156 = tpu.scan <sum>, %convert_element_type3A_153 masked %reduce_sum3A_155 : vector<16xi32>, vector<16xi1> -> vector<16xi32>
      %reduce_sum3A_157 = vector.extract %reduce_sum3A_156[15] : i32 from vector<16xi32>
      %add3A_158 = arith.addi %add3A_147, %reduce_sum3A_157 : i32
      %get3A_159 = arith.constant 8 : i32
      %get3A_160 = arith.index_cast %get3A_159 : i32 to index
      %get3A_161 = arith.constant 0 : index
      %get3A_162 = tpu.vector_load %arg9[%get3A_160, %get3A_161] {strides = array<i32>} : memref<32x64xf32, #tpu.memory_space<vmem>>, vector<16xf32>,
      %eq3A_163 = arith.cmpf oeq, %get3A_162, %add3A_9 : vector<16xf32>
      %convert_element_type3A_164 = arith.extui %eq3A_163 : vector<16xi1> to vector<16xi32>
      %reduce_sum3A_165 = arith.constant true
      %reduce_sum3A_166 = vector.broadcast %reduce_sum3A_165 : i1 to vector<16xi1>
      %reduce_sum3A_167 = tpu.scan <sum>, %convert_element_type3A_164 masked %reduce_sum3A_166 : vector<16xi32>, vector<16xi1> -> vector<16xi32>
      %reduce_sum3A_168 = vector.extract %reduce_sum3A_167[15] : i32 from vector<16xi32>
      %add3A_169 = arith.addi %add3A_158, %reduce_sum3A_168 : i32
      %get3A_170 = arith.constant 9 : i32
      %get3A_171 = arith.index_cast %get3A_170 : i32 to index
      %get3A_172 = arith.constant 0 : index
      %get3A_173 = tpu.vector_load %arg9[%get3A_171, %get3A_172] {strides = array<i32>} : memref<32x64xf32, #tpu.memory_space<vmem>>, vector<16xf32>,
      %eq3A_174 = arith.cmpf oeq, %get3A_173, %add3A_9 : vector<16xf32>
      %convert_element_type3A_175 = arith.extui %eq3A_174 : vector<16xi1> to vector<16xi32>
      %reduce_sum3A_176 = arith.constant true
      %reduce_sum3A_177 = vector.broadcast %reduce_sum3A_176 : i1 to vector<16xi1>
      %reduce_sum3A_178 = tpu.scan <sum>, %convert_element_type3A_175 masked %reduce_sum3A_177 : vector<16xi32>, vector<16xi1> -> vector<16xi32>
      %reduce_sum3A_179 = vector.extract %reduce_sum3A_178[15] : i32 from vector<16xi32>
      %add3A_180 = arith.addi %add3A_169, %reduce_sum3A_179 : i32
      %get3A_181 = arith.constant 10 : i32
      %get3A_182 = arith.index_cast %get3A_181 : i32 to index
      %get3A_183 = arith.constant 0 : index
      %get3A_184 = tpu.vector_load %arg9[%get3A_182, %get3A_183] {strides = array<i32>} : memref<32x64xf32, #tpu.memory_space<vmem>>, vector<16xf32>,
      %eq3A_185 = arith.cmpf oeq, %get3A_184, %add3A_9 : vector<16xf32>
      %convert_element_type3A_186 = arith.extui %eq3A_185 : vector<16xi1> to vector<16xi32>
      %reduce_sum3A_187 = arith.constant true
      %reduce_sum3A_188 = vector.broadcast %reduce_sum3A_187 : i1 to vector<16xi1>
      %reduce_sum3A_189 = tpu.scan <sum>, %convert_element_type3A_186 masked %reduce_sum3A_188 : vector<16xi32>, vector<16xi1> -> vector<16xi32>
      %reduce_sum3A_190 = vector.extract %reduce_sum3A_189[15] : i32 from vector<16xi32>
      %add3A_191 = arith.addi %add3A_180, %reduce_sum3A_190 : i32
      %get3A_192 = arith.constant 11 : i32
      %get3A_193 = arith.index_cast %get3A_192 : i32 to index
      %get3A_194 = arith.constant 0 : index
      %get3A_195 = tpu.vector_load %arg9[%get3A_193, %get3A_194] {strides = array<i32>} : memref<32x64xf32, #tpu.memory_space<vmem>>, vector<16xf32>,
      %eq3A_196 = arith.cmpf oeq, %get3A_195, %add3A_9 : vector<16xf32>
      %convert_element_type3A_197 = arith.extui %eq3A_196 : vector<16xi1> to vector<16xi32>
      %reduce_sum3A_198 = arith.constant true
      %reduce_sum3A_199 = vector.broadcast %reduce_sum3A_198 : i1 to vector<16xi1>
      %reduce_sum3A_200 = tpu.scan <sum>, %convert_element_type3A_197 masked %reduce_sum3A_199 : vector<16xi32>, vector<16xi1> -> vector<16xi32>
      %reduce_sum3A_201 = vector.extract %reduce_sum3A_200[15] : i32 from vector<16xi32>
      %add3A_202 = arith.addi %add3A_191, %reduce_sum3A_201 : i32
      %get3A_203 = arith.constant 12 : i32
      %get3A_204 = arith.index_cast %get3A_203 : i32 to index
      %get3A_205 = arith.constant 0 : index
      %get3A_206 = tpu.vector_load %arg9[%get3A_204, %get3A_205] {strides = array<i32>} : memref<32x64xf32, #tpu.memory_space<vmem>>, vector<16xf32>,
      %eq3A_207 = arith.cmpf oeq, %get3A_206, %add3A_9 : vector<16xf32>
      %convert_element_type3A_208 = arith.extui %eq3A_207 : vector<16xi1> to vector<16xi32>
      %reduce_sum3A_209 = arith.constant true
      %reduce_sum3A_210 = vector.broadcast %reduce_sum3A_209 : i1 to vector<16xi1>
      %reduce_sum3A_211 = tpu.scan <sum>, %convert_element_type3A_208 masked %reduce_sum3A_210 : vector<16xi32>, vector<16xi1> -> vector<16xi32>
      %reduce_sum3A_212 = vector.extract %reduce_sum3A_211[15] : i32 from vector<16xi32>
      %add3A_213 = arith.addi %add3A_202, %reduce_sum3A_212 : i32
      %get3A_214 = arith.constant 13 : i32
      %get3A_215 = arith.index_cast %get3A_214 : i32 to index
      %get3A_216 = arith.constant 0 : index
      %get3A_217 = tpu.vector_load %arg9[%get3A_215, %get3A_216] {strides = array<i32>} : memref<32x64xf32, #tpu.memory_space<vmem>>, vector<16xf32>,
      %eq3A_218 = arith.cmpf oeq, %get3A_217, %add3A_9 : vector<16xf32>
      %convert_element_type3A_219 = arith.extui %eq3A_218 : vector<16xi1> to vector<16xi32>
      %reduce_sum3A_220 = arith.constant true
      %reduce_sum3A_221 = vector.broadcast %reduce_sum3A_220 : i1 to vector<16xi1>
      %reduce_sum3A_222 = tpu.scan <sum>, %convert_element_type3A_219 masked %reduce_sum3A_221 : vector<16xi32>, vector<16xi1> -> vector<16xi32>
      %reduce_sum3A_223 = vector.extract %reduce_sum3A_222[15] : i32 from vector<16xi32>
      %add3A_224 = arith.addi %add3A_213, %reduce_sum3A_223 : i32
      %get3A_225 = arith.constant 14 : i32
      %get3A_226 = arith.index_cast %get3A_225 : i32 to index
      %get3A_227 = arith.constant 0 : index
      %get3A_228 = tpu.vector_load %arg9[%get3A_226, %get3A_227] {strides = array<i32>} : memref<32x64xf32, #tpu.memory_space<vmem>>, vector<16xf32>,
      %eq3A_229 = arith.cmpf oeq, %get3A_228, %add3A_9 : vector<16xf32>
      %convert_element_type3A_230 = arith.extui %eq3A_229 : vector<16xi1> to vector<16xi32>
      %reduce_sum3A_231 = arith.constant true
      %reduce_sum3A_232 = vector.broadcast %reduce_sum3A_231 : i1 to vector<16xi1>
      %reduce_sum3A_233 = tpu.scan <sum>, %convert_element_type3A_230 masked %reduce_sum3A_232 : vector<16xi32>, vector<16xi1> -> vector<16xi32>
      %reduce_sum3A_234 = vector.extract %reduce_sum3A_233[15] : i32 from vector<16xi32>
      %add3A_235 = arith.addi %add3A_224, %reduce_sum3A_234 : i32
      %get3A_236 = arith.constant 15 : i32
      %get3A_237 = arith.index_cast %get3A_236 : i32 to index
      %get3A_238 = arith.constant 0 : index
      %get3A_239 = tpu.vector_load %arg9[%get3A_237, %get3A_238] {strides = array<i32>} : memref<32x64xf32, #tpu.memory_space<vmem>>, vector<16xf32>,
      %eq3A_240 = arith.cmpf oeq, %get3A_239, %add3A_9 : vector<16xf32>
      %convert_element_type3A_241 = arith.extui %eq3A_240 : vector<16xi1> to vector<16xi32>
      %reduce_sum3A_242 = arith.constant true
      %reduce_sum3A_243 = vector.broadcast %reduce_sum3A_242 : i1 to vector<16xi1>
      %reduce_sum3A_244 = tpu.scan <sum>, %convert_element_type3A_241 masked %reduce_sum3A_243 : vector<16xi32>, vector<16xi1> -> vector<16xi32>
      %reduce_sum3A_245 = vector.extract %reduce_sum3A_244[15] : i32 from vector<16xi32>
      %add3A_246 = arith.addi %add3A_235, %reduce_sum3A_245 : i32
      %get3A_247 = arith.constant 16 : i32
      %get3A_248 = arith.index_cast %get3A_247 : i32 to index
      %get3A_249 = arith.constant 0 : index
      %get3A_250 = tpu.vector_load %arg9[%get3A_248, %get3A_249] {strides = array<i32>} : memref<32x64xf32, #tpu.memory_space<vmem>>, vector<16xf32>,
      %eq3A_251 = arith.cmpf oeq, %get3A_250, %add3A_9 : vector<16xf32>
      %convert_element_type3A_252 = arith.extui %eq3A_251 : vector<16xi1> to vector<16xi32>
      %reduce_sum3A_253 = arith.constant true
      %reduce_sum3A_254 = vector.broadcast %reduce_sum3A_253 : i1 to vector<16xi1>
      %reduce_sum3A_255 = tpu.scan <sum>, %convert_element_type3A_252 masked %reduce_sum3A_254 : vector<16xi32>, vector<16xi1> -> vector<16xi32>
      %reduce_sum3A_256 = vector.extract %reduce_sum3A_255[15] : i32 from vector<16xi32>
      %add3A_257 = arith.addi %add3A_246, %reduce_sum3A_256 : i32
      %get3A_258 = arith.constant 17 : i32
      %get3A_259 = arith.index_cast %get3A_258 : i32 to index
      %get3A_260 = arith.constant 0 : index
      %get3A_261 = tpu.vector_load %arg9[%get3A_259, %get3A_260] {strides = array<i32>} : memref<32x64xf32, #tpu.memory_space<vmem>>, vector<16xf32>,
      %eq3A_262 = arith.cmpf oeq, %get3A_261, %add3A_9 : vector<16xf32>
      %convert_element_type3A_263 = arith.extui %eq3A_262 : vector<16xi1> to vector<16xi32>
      %reduce_sum3A_264 = arith.constant true
      %reduce_sum3A_265 = vector.broadcast %reduce_sum3A_264 : i1 to vector<16xi1>
      %reduce_sum3A_266 = tpu.scan <sum>, %convert_element_type3A_263 masked %reduce_sum3A_265 : vector<16xi32>, vector<16xi1> -> vector<16xi32>
      %reduce_sum3A_267 = vector.extract %reduce_sum3A_266[15] : i32 from vector<16xi32>
      %add3A_268 = arith.addi %add3A_257, %reduce_sum3A_267 : i32
      %get3A_269 = arith.constant 18 : i32
      %get3A_270 = arith.index_cast %get3A_269 : i32 to index
      %get3A_271 = arith.constant 0 : index
      %get3A_272 = tpu.vector_load %arg9[%get3A_270, %get3A_271] {strides = array<i32>} : memref<32x64xf32, #tpu.memory_space<vmem>>, vector<16xf32>,
      %eq3A_273 = arith.cmpf oeq, %get3A_272, %add3A_9 : vector<16xf32>
      %convert_element_type3A_274 = arith.extui %eq3A_273 : vector<16xi1> to vector<16xi32>
      %reduce_sum3A_275 = arith.constant true
      %reduce_sum3A_276 = vector.broadcast %reduce_sum3A_275 : i1 to vector<16xi1>
      %reduce_sum3A_277 = tpu.scan <sum>, %convert_element_type3A_274 masked %reduce_sum3A_276 : vector<16xi32>, vector<16xi1> -> vector<16xi32>
      %reduce_sum3A_278 = vector.extract %reduce_sum3A_277[15] : i32 from vector<16xi32>
      %add3A_279 = arith.addi %add3A_268, %reduce_sum3A_278 : i32
      %get3A_280 = arith.constant 19 : i32
      %get3A_281 = arith.index_cast %get3A_280 : i32 to index
      %get3A_282 = arith.constant 0 : index
      %get3A_283 = tpu.vector_load %arg9[%get3A_281, %get3A_282] {strides = array<i32>} : memref<32x64xf32, #tpu.memory_space<vmem>>, vector<16xf32>,
      %eq3A_284 = arith.cmpf oeq, %get3A_283, %add3A_9 : vector<16xf32>
      %convert_element_type3A_285 = arith.extui %eq3A_284 : vector<16xi1> to vector<16xi32>
      %reduce_sum3A_286 = arith.constant true
      %reduce_sum3A_287 = vector.broadcast %reduce_sum3A_286 : i1 to vector<16xi1>
      %reduce_sum3A_288 = tpu.scan <sum>, %convert_element_type3A_285 masked %reduce_sum3A_287 : vector<16xi32>, vector<16xi1> -> vector<16xi32>
      %reduce_sum3A_289 = vector.extract %reduce_sum3A_288[15] : i32 from vector<16xi32>
      %add3A_290 = arith.addi %add3A_279, %reduce_sum3A_289 : i32
      %get3A_291 = arith.constant 20 : i32
      %get3A_292 = arith.index_cast %get3A_291 : i32 to index
      %get3A_293 = arith.constant 0 : index
      %get3A_294 = tpu.vector_load %arg9[%get3A_292, %get3A_293] {strides = array<i32>} : memref<32x64xf32, #tpu.memory_space<vmem>>, vector<16xf32>,
      %eq3A_295 = arith.cmpf oeq, %get3A_294, %add3A_9 : vector<16xf32>
      %convert_element_type3A_296 = arith.extui %eq3A_295 : vector<16xi1> to vector<16xi32>
      %reduce_sum3A_297 = arith.constant true
      %reduce_sum3A_298 = vector.broadcast %reduce_sum3A_297 : i1 to vector<16xi1>
      %reduce_sum3A_299 = tpu.scan <sum>, %convert_element_type3A_296 masked %reduce_sum3A_298 : vector<16xi32>, vector<16xi1> -> vector<16xi32>
      %reduce_sum3A_300 = vector.extract %reduce_sum3A_299[15] : i32 from vector<16xi32>
      %add3A_301 = arith.addi %add3A_290, %reduce_sum3A_300 : i32
      %get3A_302 = arith.constant 21 : i32
      %get3A_303 = arith.index_cast %get3A_302 : i32 to index
      %get3A_304 = arith.constant 0 : index
      %get3A_305 = tpu.vector_load %arg9[%get3A_303, %get3A_304] {strides = array<i32>} : memref<32x64xf32, #tpu.memory_space<vmem>>, vector<16xf32>,
      %eq3A_306 = arith.cmpf oeq, %get3A_305, %add3A_9 : vector<16xf32>
      %convert_element_type3A_307 = arith.extui %eq3A_306 : vector<16xi1> to vector<16xi32>
      %reduce_sum3A_308 = arith.constant true
      %reduce_sum3A_309 = vector.broadcast %reduce_sum3A_308 : i1 to vector<16xi1>
      %reduce_sum3A_310 = tpu.scan <sum>, %convert_element_type3A_307 masked %reduce_sum3A_309 : vector<16xi32>, vector<16xi1> -> vector<16xi32>
      %reduce_sum3A_311 = vector.extract %reduce_sum3A_310[15] : i32 from vector<16xi32>
      %add3A_312 = arith.addi %add3A_301, %reduce_sum3A_311 : i32
      %get3A_313 = arith.constant 22 : i32
      %get3A_314 = arith.index_cast %get3A_313 : i32 to index
      %get3A_315 = arith.constant 0 : index
      %get3A_316 = tpu.vector_load %arg9[%get3A_314, %get3A_315] {strides = array<i32>} : memref<32x64xf32, #tpu.memory_space<vmem>>, vector<16xf32>,
      %eq3A_317 = arith.cmpf oeq, %get3A_316, %add3A_9 : vector<16xf32>
      %convert_element_type3A_318 = arith.extui %eq3A_317 : vector<16xi1> to vector<16xi32>
      %reduce_sum3A_319 = arith.constant true
      %reduce_sum3A_320 = vector.broadcast %reduce_sum3A_319 : i1 to vector<16xi1>
      %reduce_sum3A_321 = tpu.scan <sum>, %convert_element_type3A_318 masked %reduce_sum3A_320 : vector<16xi32>, vector<16xi1> -> vector<16xi32>
      %reduce_sum3A_322 = vector.extract %reduce_sum3A_321[15] : i32 from vector<16xi32>
      %add3A_323 = arith.addi %add3A_312, %reduce_sum3A_322 : i32
      %get3A_324 = arith.constant 23 : i32
      %get3A_325 = arith.index_cast %get3A_324 : i32 to index
      %get3A_326 = arith.constant 0 : index
      %get3A_327 = tpu.vector_load %arg9[%get3A_325, %get3A_326] {strides = array<i32>} : memref<32x64xf32, #tpu.memory_space<vmem>>, vector<16xf32>,
      %eq3A_328 = arith.cmpf oeq, %get3A_327, %add3A_9 : vector<16xf32>
      %convert_element_type3A_329 = arith.extui %eq3A_328 : vector<16xi1> to vector<16xi32>
      %reduce_sum3A_330 = arith.constant true
      %reduce_sum3A_331 = vector.broadcast %reduce_sum3A_330 : i1 to vector<16xi1>
      %reduce_sum3A_332 = tpu.scan <sum>, %convert_element_type3A_329 masked %reduce_sum3A_331 : vector<16xi32>, vector<16xi1> -> vector<16xi32>
      %reduce_sum3A_333 = vector.extract %reduce_sum3A_332[15] : i32 from vector<16xi32>
      %add3A_334 = arith.addi %add3A_323, %reduce_sum3A_333 : i32
      %get3A_335 = arith.constant 24 : i32
      %get3A_336 = arith.index_cast %get3A_335 : i32 to index
      %get3A_337 = arith.constant 0 : index
      %get3A_338 = tpu.vector_load %arg9[%get3A_336, %get3A_337] {strides = array<i32>} : memref<32x64xf32, #tpu.memory_space<vmem>>, vector<16xf32>,
      %eq3A_339 = arith.cmpf oeq, %get3A_338, %add3A_9 : vector<16xf32>
      %convert_element_type3A_340 = arith.extui %eq3A_339 : vector<16xi1> to vector<16xi32>
      %reduce_sum3A_341 = arith.constant true
      %reduce_sum3A_342 = vector.broadcast %reduce_sum3A_341 : i1 to vector<16xi1>
      %reduce_sum3A_343 = tpu.scan <sum>, %convert_element_type3A_340 masked %reduce_sum3A_342 : vector<16xi32>, vector<16xi1> -> vector<16xi32>
      %reduce_sum3A_344 = vector.extract %reduce_sum3A_343[15] : i32 from vector<16xi32>
      %add3A_345 = arith.addi %add3A_334, %reduce_sum3A_344 : i32
      %get3A_346 = arith.constant 25 : i32
      %get3A_347 = arith.index_cast %get3A_346 : i32 to index
      %get3A_348 = arith.constant 0 : index
      %get3A_349 = tpu.vector_load %arg9[%get3A_347, %get3A_348] {strides = array<i32>} : memref<32x64xf32, #tpu.memory_space<vmem>>, vector<16xf32>,
      %eq3A_350 = arith.cmpf oeq, %get3A_349, %add3A_9 : vector<16xf32>
      %convert_element_type3A_351 = arith.extui %eq3A_350 : vector<16xi1> to vector<16xi32>
      %reduce_sum3A_352 = arith.constant true
      %reduce_sum3A_353 = vector.broadcast %reduce_sum3A_352 : i1 to vector<16xi1>
      %reduce_sum3A_354 = tpu.scan <sum>, %convert_element_type3A_351 masked %reduce_sum3A_353 : vector<16xi32>, vector<16xi1> -> vector<16xi32>
      %reduce_sum3A_355 = vector.extract %reduce_sum3A_354[15] : i32 from vector<16xi32>
      %add3A_356 = arith.addi %add3A_345, %reduce_sum3A_355 : i32
      %get3A_357 = arith.constant 26 : i32
      %get3A_358 = arith.index_cast %get3A_357 : i32 to index
      %get3A_359 = arith.constant 0 : index
      %get3A_360 = tpu.vector_load %arg9[%get3A_358, %get3A_359] {strides = array<i32>} : memref<32x64xf32, #tpu.memory_space<vmem>>, vector<16xf32>,
      %eq3A_361 = arith.cmpf oeq, %get3A_360, %add3A_9 : vector<16xf32>
      %convert_element_type3A_362 = arith.extui %eq3A_361 : vector<16xi1> to vector<16xi32>
      %reduce_sum3A_363 = arith.constant true
      %reduce_sum3A_364 = vector.broadcast %reduce_sum3A_363 : i1 to vector<16xi1>
      %reduce_sum3A_365 = tpu.scan <sum>, %convert_element_type3A_362 masked %reduce_sum3A_364 : vector<16xi32>, vector<16xi1> -> vector<16xi32>
      %reduce_sum3A_366 = vector.extract %reduce_sum3A_365[15] : i32 from vector<16xi32>
      %add3A_367 = arith.addi %add3A_356, %reduce_sum3A_366 : i32
      %get3A_368 = arith.constant 27 : i32
      %get3A_369 = arith.index_cast %get3A_368 : i32 to index
      %get3A_370 = arith.constant 0 : index
      %get3A_371 = tpu.vector_load %arg9[%get3A_369, %get3A_370] {strides = array<i32>} : memref<32x64xf32, #tpu.memory_space<vmem>>, vector<16xf32>,
      %eq3A_372 = arith.cmpf oeq, %get3A_371, %add3A_9 : vector<16xf32>
      %convert_element_type3A_373 = arith.extui %eq3A_372 : vector<16xi1> to vector<16xi32>
      %reduce_sum3A_374 = arith.constant true
      %reduce_sum3A_375 = vector.broadcast %reduce_sum3A_374 : i1 to vector<16xi1>
      %reduce_sum3A_376 = tpu.scan <sum>, %convert_element_type3A_373 masked %reduce_sum3A_375 : vector<16xi32>, vector<16xi1> -> vector<16xi32>
      %reduce_sum3A_377 = vector.extract %reduce_sum3A_376[15] : i32 from vector<16xi32>
      %add3A_378 = arith.addi %add3A_367, %reduce_sum3A_377 : i32
      %get3A_379 = arith.constant 28 : i32
      %get3A_380 = arith.index_cast %get3A_379 : i32 to index
      %get3A_381 = arith.constant 0 : index
      %get3A_382 = tpu.vector_load %arg9[%get3A_380, %get3A_381] {strides = array<i32>} : memref<32x64xf32, #tpu.memory_space<vmem>>, vector<16xf32>,
      %eq3A_383 = arith.cmpf oeq, %get3A_382, %add3A_9 : vector<16xf32>
      %convert_element_type3A_384 = arith.extui %eq3A_383 : vector<16xi1> to vector<16xi32>
      %reduce_sum3A_385 = arith.constant true
      %reduce_sum3A_386 = vector.broadcast %reduce_sum3A_385 : i1 to vector<16xi1>
      %reduce_sum3A_387 = tpu.scan <sum>, %convert_element_type3A_384 masked %reduce_sum3A_386 : vector<16xi32>, vector<16xi1> -> vector<16xi32>
      %reduce_sum3A_388 = vector.extract %reduce_sum3A_387[15] : i32 from vector<16xi32>
      %add3A_389 = arith.addi %add3A_378, %reduce_sum3A_388 : i32
      %get3A_390 = arith.constant 29 : i32
      %get3A_391 = arith.index_cast %get3A_390 : i32 to index
      %get3A_392 = arith.constant 0 : index
      %get3A_393 = tpu.vector_load %arg9[%get3A_391, %get3A_392] {strides = array<i32>} : memref<32x64xf32, #tpu.memory_space<vmem>>, vector<16xf32>,
      %eq3A_394 = arith.cmpf oeq, %get3A_393, %add3A_9 : vector<16xf32>
      %convert_element_type3A_395 = arith.extui %eq3A_394 : vector<16xi1> to vector<16xi32>
      %reduce_sum3A_396 = arith.constant true
      %reduce_sum3A_397 = vector.broadcast %reduce_sum3A_396 : i1 to vector<16xi1>
      %reduce_sum3A_398 = tpu.scan <sum>, %convert_element_type3A_395 masked %reduce_sum3A_397 : vector<16xi32>, vector<16xi1> -> vector<16xi32>
      %reduce_sum3A_399 = vector.extract %reduce_sum3A_398[15] : i32 from vector<16xi32>
      %add3A_400 = arith.addi %add3A_389, %reduce_sum3A_399 : i32
      %get3A_401 = arith.constant 30 : i32
      %get3A_402 = arith.index_cast %get3A_401 : i32 to index
      %get3A_403 = arith.constant 0 : index
      %get3A_404 = tpu.vector_load %arg9[%get3A_402, %get3A_403] {strides = array<i32>} : memref<32x64xf32, #tpu.memory_space<vmem>>, vector<16xf32>,
      %eq3A_405 = arith.cmpf oeq, %get3A_404, %add3A_9 : vector<16xf32>
      %convert_element_type3A_406 = arith.extui %eq3A_405 : vector<16xi1> to vector<16xi32>
      %reduce_sum3A_407 = arith.constant true
      %reduce_sum3A_408 = vector.broadcast %reduce_sum3A_407 : i1 to vector<16xi1>
      %reduce_sum3A_409 = tpu.scan <sum>, %convert_element_type3A_406 masked %reduce_sum3A_408 : vector<16xi32>, vector<16xi1> -> vector<16xi32>
      %reduce_sum3A_410 = vector.extract %reduce_sum3A_409[15] : i32 from vector<16xi32>
      %add3A_411 = arith.addi %add3A_400, %reduce_sum3A_410 : i32
      %get3A_412 = arith.constant 31 : i32
      %get3A_413 = arith.index_cast %get3A_412 : i32 to index
      %get3A_414 = arith.constant 0 : index
      %get3A_415 = tpu.vector_load %arg9[%get3A_413, %get3A_414] {strides = array<i32>} : memref<32x64xf32, #tpu.memory_space<vmem>>, vector<16xf32>,
      %eq3A_416 = arith.cmpf oeq, %get3A_415, %add3A_9 : vector<16xf32>
      %convert_element_type3A_417 = arith.extui %eq3A_416 : vector<16xi1> to vector<16xi32>
      %reduce_sum3A_418 = arith.constant true
      %reduce_sum3A_419 = vector.broadcast %reduce_sum3A_418 : i1 to vector<16xi1>
      %reduce_sum3A_420 = tpu.scan <sum>, %convert_element_type3A_417 masked %reduce_sum3A_419 : vector<16xi32>, vector<16xi1> -> vector<16xi32>
      %reduce_sum3A_421 = vector.extract %reduce_sum3A_420[15] : i32 from vector<16xi32>
      %add3A_422 = arith.addi %add3A_411, %reduce_sum3A_421 : i32
      scf.yield %add3A_422 : i32
    }
    %dma_start3A = arith.constant 0 : i32
    %dma_start3A_41 = arith.constant 0 : i32
    %dma_start3A_42 = tpu.memref_slice %arg6[%dma_start3A, %dma_start3A_41] : memref<200x128xi32, #tpu.memory_space<vmem>> -> memref<1x128xi32, #tpu.memory_space<vmem>>
    %dma_start3A_43 = tpu.memref_squeeze %dma_start3A_42 : memref<1x128xi32, #tpu.memory_space<vmem>> -> memref<128xi32, #tpu.memory_space<vmem>>
    %dma_start3A_44 = arith.constant 0 : i32
    %dma_start3A_45 = arith.constant 0 : i32
    %dma_start3A_46 = tpu.memref_slice %arg5[%dma_start3A_44, %dma_start3A_45] : memref<1000032x64xf32, #tpu.memory_space<hbm>> -> memref<1000032x64xf32, #tpu.memory_space<hbm>>
    tpu.enqueue_indirect_dma source(%dma_start3A_46 : memref<1000032x64xf32, #tpu.memory_space<hbm>>) target(%arg10 : memref<128x64xf32, #tpu.memory_space<vmem>>) offsets(%dma_start3A_43 : memref<128xi32, #tpu.memory_space<vmem>>) semaphore(%arg16 : memref<!tpu.dma_semaphore, #tpu.memory_space<semaphore_mem>>)
    %scan3A_47 = arith.constant 0 : i32
    %scan3A_48 = arith.constant 0 : i32
    %scan3A_49 = arith.constant 100 : i32
    %scan3A_50 = arith.addi %scan3A_48, %scan3A_49 : i32
    %scan3A_51 = arith.constant 1 : i32
    scf.for %scan3A_70 = %scan3A_48 to %scan3A_50 step %scan3A_51  : i32 {
      %mul3A_71 = arith.constant 2 : i32
      %mul3A_72 = arith.muli %scan3A_70, %mul3A_71 : i32
      %add3A_73 = arith.constant 0 : i32
      %add3A_74 = arith.addi %mul3A_72, %add3A_73 : i32
      %add3A_75 = arith.constant 1 : i32
      %add3A_76 = arith.addi %add3A_74, %add3A_75 : i32
      %lt3A_77 = arith.constant 200 : i32
      %lt3A_78 = arith.cmpi slt, %add3A_76, %lt3A_77 : i32
      %convert_element_type3A_79 = arith.extui %lt3A_78 : i1 to i32
      %cond3A_80 = arith.constant 0 : i32
      %cond3A_81 = arith.cmpi ne, %convert_element_type3A_79, %cond3A_80 : i32
      scf.if %cond3A_81 {
        %add3A_140 = arith.constant 1 : i32
        %add3A_141 = arith.addi %add3A_74, %add3A_140 : i32
        %dma_start3A_142 = arith.constant 0 : i32
        %dma_start3A_143 = tpu.memref_slice %arg6[%add3A_141, %dma_start3A_142] : memref<200x128xi32, #tpu.memory_space<vmem>> -> memref<1x128xi32, #tpu.memory_space<vmem>>
        %dma_start3A_144 = tpu.memref_squeeze %dma_start3A_143 : memref<1x128xi32, #tpu.memory_space<vmem>> -> memref<128xi32, #tpu.memory_space<vmem>>
        %dma_start3A_145 = arith.constant 0 : i32
        %dma_start3A_146 = arith.constant 0 : i32
        %dma_start3A_147 = tpu.memref_slice %arg5[%dma_start3A_145, %dma_start3A_146] : memref<1000032x64xf32, #tpu.memory_space<hbm>> -> memref<1000032x64xf32, #tpu.memory_space<hbm>>
        tpu.enqueue_indirect_dma source(%dma_start3A_147 : memref<1000032x64xf32, #tpu.memory_space<hbm>>) target(%arg11 : memref<128x64xf32, #tpu.memory_space<vmem>>) offsets(%dma_start3A_144 : memref<128xi32, #tpu.memory_space<vmem>>) semaphore(%arg17 : memref<!tpu.dma_semaphore, #tpu.memory_space<semaphore_mem>>)
      } else {
      }
      %dma_wait3A_82 = arith.constant 0 : i32
      %dma_wait3A_83 = tpu.memref_slice %arg6[%add3A_74, %dma_wait3A_82] : memref<200x128xi32, #tpu.memory_space<vmem>> -> memref<1x128xi32, #tpu.memory_space<vmem>>
      %dma_wait3A_84 = tpu.memref_squeeze %dma_wait3A_83 : memref<1x128xi32, #tpu.memory_space<vmem>> -> memref<128xi32, #tpu.memory_space<vmem>>
      %dma_wait3A_85 = arith.constant 0 : i32
      %dma_wait3A_86 = arith.constant 0 : i32
      %dma_wait3A_87 = tpu.memref_slice %arg5[%dma_wait3A_85, %dma_wait3A_86] : memref<1000032x64xf32, #tpu.memory_space<hbm>> -> memref<1000032x64xf32, #tpu.memory_space<hbm>>
      tpu.wait_indirect_dma semaphore(%arg16 : memref<!tpu.dma_semaphore, #tpu.memory_space<semaphore_mem>>) src(%dma_wait3A_87 : memref<1000032x64xf32, #tpu.memory_space<hbm>>) dst(%arg10 : memref<128x64xf32, #tpu.memory_space<vmem>>)
      %ge3A = arith.constant 2 : i32
      %ge3A_88 = arith.cmpi sge, %add3A_74, %ge3A : i32
      %convert_element_type3A_89 = arith.extui %ge3A_88 : i1 to i32
      %cond3A_90 = arith.constant 0 : i32
      %cond3A_91 = arith.cmpi ne, %convert_element_type3A_89, %cond3A_90 : i32
      scf.if %cond3A_91 {
        %dma_wait3A_140 = arith.constant 0 : i32
        %dma_wait3A_141 = arith.constant 0 : i32
        %dma_wait3A_142 = tpu.memref_slice %arg4[%add3A, %add3A_74, %dma_wait3A_140, %dma_wait3A_141] : memref<32x200x128x64xf32, #tpu.memory_space<hbm>> -> memref<1x1x128x64xf32, #tpu.memory_space<hbm>>
        %dma_wait3A_143 = tpu.memref_squeeze %dma_wait3A_142 : memref<1x1x128x64xf32, #tpu.memory_space<hbm>> -> memref<128x64xf32, #tpu.memory_space<hbm>>
        %dma_wait3A_144 = arith.constant 0 : i32
        %dma_wait3A_145 = arith.constant 0 : i32
        %dma_wait3A_146 = tpu.memref_slice %arg4[%add3A, %add3A_74, %dma_wait3A_144, %dma_wait3A_145] : memref<32x200x128x64xf32, #tpu.memory_space<hbm>> -> memref<1x1x128x64xf32, #tpu.memory_space<hbm>>
        %dma_wait3A_147 = tpu.memref_squeeze %dma_wait3A_146 : memref<1x1x128x64xf32, #tpu.memory_space<hbm>> -> memref<128x64xf32, #tpu.memory_space<hbm>>
        tpu.wait_dma2 semaphore(%arg18 : memref<!tpu.dma_semaphore, #tpu.memory_space<semaphore_mem>>) src(%arg10 : memref<128x64xf32, #tpu.memory_space<vmem>>) dst(%dma_wait3A_147 : memref<128x64xf32, #tpu.memory_space<hbm>>)
      } else {
      }
      %scan3A_92 = arith.constant 0 : i32
      %scan3A_93 = arith.constant 0 : i32
      %scan3A_94 = arith.constant 128 : i32
      %scan3A_95 = arith.addi %scan3A_93, %scan3A_94 : i32
      %scan3A_96 = arith.constant 4 : i32
      scf.for %scan3A_140 = %scan3A_93 to %scan3A_95 step %scan3A_96  : i32 {
        %get3A_141 = arith.index_cast %scan3A_140 : i32 to index
        %get3A_142 = arith.constant 0 : index
        %get3A_143 = tpu.vector_load %arg10[%get3A_141, %get3A_142] {strides = array<i32>} : memref<128x64xf32, #tpu.memory_space<vmem>>, vector<16xf32>,
        %mul3A_144 = arith.constant 8.000000e+00 : f32
        %mul3A_145 = vector.broadcast %mul3A_144 : f32 to vector<16xf32>
        %mul3A_146 = arith.mulf %get3A_143, %mul3A_145 : vector<16xf32>
        %swap3A_147 = arith.index_cast %scan3A_140 : i32 to index
        %swap3A_148 = arith.constant 0 : index
        %swap3A_149 = tpu.vector_load %arg10[%swap3A_147, %swap3A_148] {strides = array<i32>} : memref<128x64xf32, #tpu.memory_space<vmem>>, vector<16xf32>,
        tpu.vector_store %arg10[%swap3A_147, %swap3A_148], %mul3A_146 {strides = array<i32>} : memref<128x64xf32, #tpu.memory_space<vmem>>, vector<16xf32>,
        %get3A_150 = arith.index_cast %scan3A_140 : i32 to index
        %get3A_151 = arith.constant 16 : index
        %get3A_152 = tpu.vector_load %arg10[%get3A_150, %get3A_151] {strides = array<i32>} : memref<128x64xf32, #tpu.memory_space<vmem>>, vector<16xf32>,
        %mul3A_153 = arith.constant 8.000000e+00 : f32
        %mul3A_154 = vector.broadcast %mul3A_153 : f32 to vector<16xf32>
        %mul3A_155 = arith.mulf %get3A_152, %mul3A_154 : vector<16xf32>
        %swap3A_156 = arith.index_cast %scan3A_140 : i32 to index
        %swap3A_157 = arith.constant 16 : index
        %swap3A_158 = tpu.vector_load %arg10[%swap3A_156, %swap3A_157] {strides = array<i32>} : memref<128x64xf32, #tpu.memory_space<vmem>>, vector<16xf32>,
        tpu.vector_store %arg10[%swap3A_156, %swap3A_157], %mul3A_155 {strides = array<i32>} : memref<128x64xf32, #tpu.memory_space<vmem>>, vector<16xf32>,
        %get3A_159 = arith.index_cast %scan3A_140 : i32 to index
        %get3A_160 = arith.constant 32 : index
        %get3A_161 = tpu.vector_load %arg10[%get3A_159, %get3A_160] {strides = array<i32>} : memref<128x64xf32, #tpu.memory_space<vmem>>, vector<16xf32>,
        %mul3A_162 = arith.constant 8.000000e+00 : f32
        %mul3A_163 = vector.broadcast %mul3A_162 : f32 to vector<16xf32>
        %mul3A_164 = arith.mulf %get3A_161, %mul3A_163 : vector<16xf32>
        %swap3A_165 = arith.index_cast %scan3A_140 : i32 to index
        %swap3A_166 = arith.constant 32 : index
        %swap3A_167 = tpu.vector_load %arg10[%swap3A_165, %swap3A_166] {strides = array<i32>} : memref<128x64xf32, #tpu.memory_space<vmem>>, vector<16xf32>,
        tpu.vector_store %arg10[%swap3A_165, %swap3A_166], %mul3A_164 {strides = array<i32>} : memref<128x64xf32, #tpu.memory_space<vmem>>, vector<16xf32>,
        %get3A_168 = arith.index_cast %scan3A_140 : i32 to index
        %get3A_169 = arith.constant 48 : index
        %get3A_170 = tpu.vector_load %arg10[%get3A_168, %get3A_169] {strides = array<i32>} : memref<128x64xf32, #tpu.memory_space<vmem>>, vector<16xf32>,
        %mul3A_171 = arith.constant 8.000000e+00 : f32
        %mul3A_172 = vector.broadcast %mul3A_171 : f32 to vector<16xf32>
        %mul3A_173 = arith.mulf %get3A_170, %mul3A_172 : vector<16xf32>
        %swap3A_174 = arith.index_cast %scan3A_140 : i32 to index
        %swap3A_175 = arith.constant 48 : index
        %swap3A_176 = tpu.vector_load %arg10[%swap3A_174, %swap3A_175] {strides = array<i32>} : memref<128x64xf32, #tpu.memory_space<vmem>>, vector<16xf32>,
        tpu.vector_store %arg10[%swap3A_174, %swap3A_175], %mul3A_173 {strides = array<i32>} : memref<128x64xf32, #tpu.memory_space<vmem>>, vector<16xf32>,
        %scan3A_177 = arith.constant 1 : i32
        %scan3A_178 = arith.addi %scan3A_140, %scan3A_177 : i32
        %get3A_179 = arith.index_cast %scan3A_178 : i32 to index
        %get3A_180 = arith.constant 0 : index
        %get3A_181 = tpu.vector_load %arg10[%get3A_179, %get3A_180] {strides = array<i32>} : memref<128x64xf32, #tpu.memory_space<vmem>>, vector<16xf32>,
        %mul3A_182 = arith.constant 8.000000e+00 : f32
        %mul3A_183 = vector.broadcast %mul3A_182 : f32 to vector<16xf32>
        %mul3A_184 = arith.mulf %get3A_181, %mul3A_183 : vector<16xf32>
        %swap3A_185 = arith.index_cast %scan3A_178 : i32 to index
        %swap3A_186 = arith.constant 0 : index
        %swap3A_187 = tpu.vector_load %arg10[%swap3A_185, %swap3A_186] {strides = array<i32>} : memref<128x64xf32, #tpu.memory_space<vmem>>, vector<16xf32>,
        tpu.vector_store %arg10[%swap3A_185, %swap3A_186], %mul3A_184 {strides = array<i32>} : memref<128x64xf32, #tpu.memory_space<vmem>>, vector<16xf32>,
        %get3A_188 = arith.index_cast %scan3A_178 : i32 to index
        %get3A_189 = arith.constant 16 : index
        %get3A_190 = tpu.vector_load %arg10[%get3A_188, %get3A_189] {strides = array<i32>} : memref<128x64xf32, #tpu.memory_space<vmem>>, vector<16xf32>,
        %mul3A_191 = arith.constant 8.000000e+00 : f32
        %mul3A_192 = vector.broadcast %mul3A_191 : f32 to vector<16xf32>
        %mul3A_193 = arith.mulf %get3A_190, %mul3A_192 : vector<16xf32>
        %swap3A_194 = arith.index_cast %scan3A_178 : i32 to index
        %swap3A_195 = arith.constant 16 : index
        %swap3A_196 = tpu.vector_load %arg10[%swap3A_194, %swap3A_195] {strides = array<i32>} : memref<128x64xf32, #tpu.memory_space<vmem>>, vector<16xf32>,
        tpu.vector_store %arg10[%swap3A_194, %swap3A_195], %mul3A_193 {strides = array<i32>} : memref<128x64xf32, #tpu.memory_space<vmem>>, vector<16xf32>,
        %get3A_197 = arith.index_cast %scan3A_178 : i32 to index
        %get3A_198 = arith.constant 32 : index
        %get3A_199 = tpu.vector_load %arg10[%get3A_197, %get3A_198] {strides = array<i32>} : memref<128x64xf32, #tpu.memory_space<vmem>>, vector<16xf32>,
        %mul3A_200 = arith.constant 8.000000e+00 : f32
        %mul3A_201 = vector.broadcast %mul3A_200 : f32 to vector<16xf32>
        %mul3A_202 = arith.mulf %get3A_199, %mul3A_201 : vector<16xf32>
        %swap3A_203 = arith.index_cast %scan3A_178 : i32 to index
        %swap3A_204 = arith.constant 32 : index
        %swap3A_205 = tpu.vector_load %arg10[%swap3A_203, %swap3A_204] {strides = array<i32>} : memref<128x64xf32, #tpu.memory_space<vmem>>, vector<16xf32>,
        tpu.vector_store %arg10[%swap3A_203, %swap3A_204], %mul3A_202 {strides = array<i32>} : memref<128x64xf32, #tpu.memory_space<vmem>>, vector<16xf32>,
        %get3A_206 = arith.index_cast %scan3A_178 : i32 to index
        %get3A_207 = arith.constant 48 : index
        %get3A_208 = tpu.vector_load %arg10[%get3A_206, %get3A_207] {strides = array<i32>} : memref<128x64xf32, #tpu.memory_space<vmem>>, vector<16xf32>,
        %mul3A_209 = arith.constant 8.000000e+00 : f32
        %mul3A_210 = vector.broadcast %mul3A_209 : f32 to vector<16xf32>
        %mul3A_211 = arith.mulf %get3A_208, %mul3A_210 : vector<16xf32>
        %swap3A_212 = arith.index_cast %scan3A_178 : i32 to index
        %swap3A_213 = arith.constant 48 : index
        %swap3A_214 = tpu.vector_load %arg10[%swap3A_212, %swap3A_213] {strides = array<i32>} : memref<128x64xf32, #tpu.memory_space<vmem>>, vector<16xf32>,
        tpu.vector_store %arg10[%swap3A_212, %swap3A_213], %mul3A_211 {strides = array<i32>} : memref<128x64xf32, #tpu.memory_space<vmem>>, vector<16xf32>,
        %scan3A_215 = arith.constant 2 : i32
        %scan3A_216 = arith.addi %scan3A_140, %scan3A_215 : i32
        %get3A_217 = arith.index_cast %scan3A_216 : i32 to index
        %get3A_218 = arith.constant 0 : index
        %get3A_219 = tpu.vector_load %arg10[%get3A_217, %get3A_218] {strides = array<i32>} : memref<128x64xf32, #tpu.memory_space<vmem>>, vector<16xf32>,
        %mul3A_220 = arith.constant 8.000000e+00 : f32
        %mul3A_221 = vector.broadcast %mul3A_220 : f32 to vector<16xf32>
        %mul3A_222 = arith.mulf %get3A_219, %mul3A_221 : vector<16xf32>
        %swap3A_223 = arith.index_cast %scan3A_216 : i32 to index
        %swap3A_224 = arith.constant 0 : index
        %swap3A_225 = tpu.vector_load %arg10[%swap3A_223, %swap3A_224] {strides = array<i32>} : memref<128x64xf32, #tpu.memory_space<vmem>>, vector<16xf32>,
        tpu.vector_store %arg10[%swap3A_223, %swap3A_224], %mul3A_222 {strides = array<i32>} : memref<128x64xf32, #tpu.memory_space<vmem>>, vector<16xf32>,
        %get3A_226 = arith.index_cast %scan3A_216 : i32 to index
        %get3A_227 = arith.constant 16 : index
        %get3A_228 = tpu.vector_load %arg10[%get3A_226, %get3A_227] {strides = array<i32>} : memref<128x64xf32, #tpu.memory_space<vmem>>, vector<16xf32>,
        %mul3A_229 = arith.constant 8.000000e+00 : f32
        %mul3A_230 = vector.broadcast %mul3A_229 : f32 to vector<16xf32>
        %mul3A_231 = arith.mulf %get3A_228, %mul3A_230 : vector<16xf32>
        %swap3A_232 = arith.index_cast %scan3A_216 : i32 to index
        %swap3A_233 = arith.constant 16 : index
        %swap3A_234 = tpu.vector_load %arg10[%swap3A_232, %swap3A_233] {strides = array<i32>} : memref<128x64xf32, #tpu.memory_space<vmem>>, vector<16xf32>,
        tpu.vector_store %arg10[%swap3A_232, %swap3A_233], %mul3A_231 {strides = array<i32>} : memref<128x64xf32, #tpu.memory_space<vmem>>, vector<16xf32>,
        %get3A_235 = arith.index_cast %scan3A_216 : i32 to index
        %get3A_236 = arith.constant 32 : index
        %get3A_237 = tpu.vector_load %arg10[%get3A_235, %get3A_236] {strides = array<i32>} : memref<128x64xf32, #tpu.memory_space<vmem>>, vector<16xf32>,
        %mul3A_238 = arith.constant 8.000000e+00 : f32
        %mul3A_239 = vector.broadcast %mul3A_238 : f32 to vector<16xf32>
        %mul3A_240 = arith.mulf %get3A_237, %mul3A_239 : vector<16xf32>
        %swap3A_241 = arith.index_cast %scan3A_216 : i32 to index
        %swap3A_242 = arith.constant 32 : index
        %swap3A_243 = tpu.vector_load %arg10[%swap3A_241, %swap3A_242] {strides = array<i32>} : memref<128x64xf32, #tpu.memory_space<vmem>>, vector<16xf32>,
        tpu.vector_store %arg10[%swap3A_241, %swap3A_242], %mul3A_240 {strides = array<i32>} : memref<128x64xf32, #tpu.memory_space<vmem>>, vector<16xf32>,
        %get3A_244 = arith.index_cast %scan3A_216 : i32 to index
        %get3A_245 = arith.constant 48 : index
        %get3A_246 = tpu.vector_load %arg10[%get3A_244, %get3A_245] {strides = array<i32>} : memref<128x64xf32, #tpu.memory_space<vmem>>, vector<16xf32>,
        %mul3A_247 = arith.constant 8.000000e+00 : f32
        %mul3A_248 = vector.broadcast %mul3A_247 : f32 to vector<16xf32>
        %mul3A_249 = arith.mulf %get3A_246, %mul3A_248 : vector<16xf32>
        %swap3A_250 = arith.index_cast %scan3A_216 : i32 to index
        %swap3A_251 = arith.constant 48 : index
        %swap3A_252 = tpu.vector_load %arg10[%swap3A_250, %swap3A_251] {strides = array<i32>} : memref<128x64xf32, #tpu.memory_space<vmem>>, vector<16xf32>,
        tpu.vector_store %arg10[%swap3A_250, %swap3A_251], %mul3A_249 {strides = array<i32>} : memref<128x64xf32, #tpu.memory_space<vmem>>, vector<16xf32>,
        %scan3A_253 = arith.constant 3 : i32
        %scan3A_254 = arith.addi %scan3A_140, %scan3A_253 : i32
        %get3A_255 = arith.index_cast %scan3A_254 : i32 to index
        %get3A_256 = arith.constant 0 : index
        %get3A_257 = tpu.vector_load %arg10[%get3A_255, %get3A_256] {strides = array<i32>} : memref<128x64xf32, #tpu.memory_space<vmem>>, vector<16xf32>,
        %mul3A_258 = arith.constant 8.000000e+00 : f32
        %mul3A_259 = vector.broadcast %mul3A_258 : f32 to vector<16xf32>
        %mul3A_260 = arith.mulf %get3A_257, %mul3A_259 : vector<16xf32>
        %swap3A_261 = arith.index_cast %scan3A_254 : i32 to index
        %swap3A_262 = arith.constant 0 : index
        %swap3A_263 = tpu.vector_load %arg10[%swap3A_261, %swap3A_262] {strides = array<i32>} : memref<128x64xf32, #tpu.memory_space<vmem>>, vector<16xf32>,
        tpu.vector_store %arg10[%swap3A_261, %swap3A_262], %mul3A_260 {strides = array<i32>} : memref<128x64xf32, #tpu.memory_space<vmem>>, vector<16xf32>,
        %get3A_264 = arith.index_cast %scan3A_254 : i32 to index
        %get3A_265 = arith.constant 16 : index
        %get3A_266 = tpu.vector_load %arg10[%get3A_264, %get3A_265] {strides = array<i32>} : memref<128x64xf32, #tpu.memory_space<vmem>>, vector<16xf32>,
        %mul3A_267 = arith.constant 8.000000e+00 : f32
        %mul3A_268 = vector.broadcast %mul3A_267 : f32 to vector<16xf32>
        %mul3A_269 = arith.mulf %get3A_266, %mul3A_268 : vector<16xf32>
        %swap3A_270 = arith.index_cast %scan3A_254 : i32 to index
        %swap3A_271 = arith.constant 16 : index
        %swap3A_272 = tpu.vector_load %arg10[%swap3A_270, %swap3A_271] {strides = array<i32>} : memref<128x64xf32, #tpu.memory_space<vmem>>, vector<16xf32>,
        tpu.vector_store %arg10[%swap3A_270, %swap3A_271], %mul3A_269 {strides = array<i32>} : memref<128x64xf32, #tpu.memory_space<vmem>>, vector<16xf32>,
        %get3A_273 = arith.index_cast %scan3A_254 : i32 to index
        %get3A_274 = arith.constant 32 : index
        %get3A_275 = tpu.vector_load %arg10[%get3A_273, %get3A_274] {strides = array<i32>} : memref<128x64xf32, #tpu.memory_space<vmem>>, vector<16xf32>,
        %mul3A_276 = arith.constant 8.000000e+00 : f32
        %mul3A_277 = vector.broadcast %mul3A_276 : f32 to vector<16xf32>
        %mul3A_278 = arith.mulf %get3A_275, %mul3A_277 : vector<16xf32>
        %swap3A_279 = arith.index_cast %scan3A_254 : i32 to index
        %swap3A_280 = arith.constant 32 : index
        %swap3A_281 = tpu.vector_load %arg10[%swap3A_279, %swap3A_280] {strides = array<i32>} : memref<128x64xf32, #tpu.memory_space<vmem>>, vector<16xf32>,
        tpu.vector_store %arg10[%swap3A_279, %swap3A_280], %mul3A_278 {strides = array<i32>} : memref<128x64xf32, #tpu.memory_space<vmem>>, vector<16xf32>,
        %get3A_282 = arith.index_cast %scan3A_254 : i32 to index
        %get3A_283 = arith.constant 48 : index
        %get3A_284 = tpu.vector_load %arg10[%get3A_282, %get3A_283] {strides = array<i32>} : memref<128x64xf32, #tpu.memory_space<vmem>>, vector<16xf32>,
        %mul3A_285 = arith.constant 8.000000e+00 : f32
        %mul3A_286 = vector.broadcast %mul3A_285 : f32 to vector<16xf32>
        %mul3A_287 = arith.mulf %get3A_284, %mul3A_286 : vector<16xf32>
        %swap3A_288 = arith.index_cast %scan3A_254 : i32 to index
        %swap3A_289 = arith.constant 48 : index
        %swap3A_290 = tpu.vector_load %arg10[%swap3A_288, %swap3A_289] {strides = array<i32>} : memref<128x64xf32, #tpu.memory_space<vmem>>, vector<16xf32>,
        tpu.vector_store %arg10[%swap3A_288, %swap3A_289], %mul3A_287 {strides = array<i32>} : memref<128x64xf32, #tpu.memory_space<vmem>>, vector<16xf32>,
      }
      %scan3A_97 = arith.constant 128 : i32
      %dma_start3A_98 = arith.constant 0 : i32
      %dma_start3A_99 = arith.constant 0 : i32
      %dma_start3A_100 = tpu.memref_slice %arg4[%add3A, %add3A_74, %dma_start3A_98, %dma_start3A_99] : memref<32x200x128x64xf32, #tpu.memory_space<hbm>> -> memref<1x1x128x64xf32, #tpu.memory_space<hbm>>
      %dma_start3A_101 = tpu.memref_squeeze %dma_start3A_100 : memref<1x1x128x64xf32, #tpu.memory_space<hbm>> -> memref<128x64xf32, #tpu.memory_space<hbm>>
      %dma_start3A_102 = arith.constant 0 : i32
      %dma_start3A_103 = arith.constant 0 : i32
      %dma_start3A_104 = tpu.memref_slice %arg4[%add3A, %add3A_74, %dma_start3A_102, %dma_start3A_103] : memref<32x200x128x64xf32, #tpu.memory_space<hbm>> -> memref<1x1x128x64xf32, #tpu.memory_space<hbm>>
      %dma_start3A_105 = tpu.memref_squeeze %dma_start3A_104 : memref<1x1x128x64xf32, #tpu.memory_space<hbm>> -> memref<128x64xf32, #tpu.memory_space<hbm>>
      tpu.enqueue_dma source(%arg10 : memref<128x64xf32, #tpu.memory_space<vmem>>) target(%dma_start3A_105 : memref<128x64xf32, #tpu.memory_space<hbm>>) target_semaphore(%arg18 : memref<!tpu.dma_semaphore, #tpu.memory_space<semaphore_mem>>)
      %add3A_106 = arith.constant 1 : i32
      %add3A_107 = arith.addi %mul3A_72, %add3A_106 : i32
      %add3A_108 = arith.constant 1 : i32
      %add3A_109 = arith.addi %add3A_107, %add3A_108 : i32
      %lt3A_110 = arith.constant 200 : i32
      %lt3A_111 = arith.cmpi slt, %add3A_109, %lt3A_110 : i32
      %convert_element_type3A_112 = arith.extui %lt3A_111 : i1 to i32
      %cond3A_113 = arith.constant 0 : i32
      %cond3A_114 = arith.cmpi ne, %convert_element_type3A_112, %cond3A_113 : i32
      scf.if %cond3A_114 {
        %add3A_140 = arith.constant 1 : i32
        %add3A_141 = arith.addi %add3A_107, %add3A_140 : i32
        %dma_start3A_142 = arith.constant 0 : i32
        %dma_start3A_143 = tpu.memref_slice %arg6[%add3A_141, %dma_start3A_142] : memref<200x128xi32, #tpu.memory_space<vmem>> -> memref<1x128xi32, #tpu.memory_space<vmem>>
        %dma_start3A_144 = tpu.memref_squeeze %dma_start3A_143 : memref<1x128xi32, #tpu.memory_space<vmem>> -> memref<128xi32, #tpu.memory_space<vmem>>
        %dma_start3A_145 = arith.constant 0 : i32
        %dma_start3A_146 = arith.constant 0 : i32
        %dma_start3A_147 = tpu.memref_slice %arg5[%dma_start3A_145, %dma_start3A_146] : memref<1000032x64xf32, #tpu.memory_space<hbm>> -> memref<1000032x64xf32, #tpu.memory_space<hbm>>
        tpu.enqueue_indirect_dma source(%dma_start3A_147 : memref<1000032x64xf32, #tpu.memory_space<hbm>>) target(%arg10 : memref<128x64xf32, #tpu.memory_space<vmem>>) offsets(%dma_start3A_144 : memref<128xi32, #tpu.memory_space<vmem>>) semaphore(%arg16 : memref<!tpu.dma_semaphore, #tpu.memory_space<semaphore_mem>>)
      } else {
      }
      %dma_wait3A_115 = arith.constant 0 : i32
      %dma_wait3A_116 = tpu.memref_slice %arg6[%add3A_107, %dma_wait3A_115] : memref<200x128xi32, #tpu.memory_space<vmem>> -> memref<1x128xi32, #tpu.memory_space<vmem>>
      %dma_wait3A_117 = tpu.memref_squeeze %dma_wait3A_116 : memref<1x128xi32, #tpu.memory_space<vmem>> -> memref<128xi32, #tpu.memory_space<vmem>>
      %dma_wait3A_118 = arith.constant 0 : i32
      %dma_wait3A_119 = arith.constant 0 : i32
      %dma_wait3A_120 = tpu.memref_slice %arg5[%dma_wait3A_118, %dma_wait3A_119] : memref<1000032x64xf32, #tpu.memory_space<hbm>> -> memref<1000032x64xf32, #tpu.memory_space<hbm>>
      tpu.wait_indirect_dma semaphore(%arg17 : memref<!tpu.dma_semaphore, #tpu.memory_space<semaphore_mem>>) src(%dma_wait3A_120 : memref<1000032x64xf32, #tpu.memory_space<hbm>>) dst(%arg11 : memref<128x64xf32, #tpu.memory_space<vmem>>)
      %ge3A_121 = arith.constant 2 : i32
      %ge3A_122 = arith.cmpi sge, %add3A_107, %ge3A_121 : i32
      %convert_element_type3A_123 = arith.extui %ge3A_122 : i1 to i32
      %cond3A_124 = arith.constant 0 : i32
      %cond3A_125 = arith.cmpi ne, %convert_element_type3A_123, %cond3A_124 : i32
      scf.if %cond3A_125 {
        %dma_wait3A_140 = arith.constant 0 : i32
        %dma_wait3A_141 = arith.constant 0 : i32
        %dma_wait3A_142 = tpu.memref_slice %arg4[%add3A, %add3A_107, %dma_wait3A_140, %dma_wait3A_141] : memref<32x200x128x64xf32, #tpu.memory_space<hbm>> -> memref<1x1x128x64xf32, #tpu.memory_space<hbm>>
        %dma_wait3A_143 = tpu.memref_squeeze %dma_wait3A_142 : memref<1x1x128x64xf32, #tpu.memory_space<hbm>> -> memref<128x64xf32, #tpu.memory_space<hbm>>
        %dma_wait3A_144 = arith.constant 0 : i32
        %dma_wait3A_145 = arith.constant 0 : i32
        %dma_wait3A_146 = tpu.memref_slice %arg4[%add3A, %add3A_107, %dma_wait3A_144, %dma_wait3A_145] : memref<32x200x128x64xf32, #tpu.memory_space<hbm>> -> memref<1x1x128x64xf32, #tpu.memory_space<hbm>>
        %dma_wait3A_147 = tpu.memref_squeeze %dma_wait3A_146 : memref<1x1x128x64xf32, #tpu.memory_space<hbm>> -> memref<128x64xf32, #tpu.memory_space<hbm>>
        tpu.wait_dma2 semaphore(%arg19 : memref<!tpu.dma_semaphore, #tpu.memory_space<semaphore_mem>>) src(%arg11 : memref<128x64xf32, #tpu.memory_space<vmem>>) dst(%dma_wait3A_147 : memref<128x64xf32, #tpu.memory_space<hbm>>)
      } else {
      }
      %scan3A_126 = arith.constant 0 : i32
      %scan3A_127 = arith.constant 0 : i32
      %scan3A_128 = arith.constant 128 : i32
      %scan3A_129 = arith.addi %scan3A_127, %scan3A_128 : i32
      %scan3A_130 = arith.constant 4 : i32
      scf.for %scan3A_140 = %scan3A_127 to %scan3A_129 step %scan3A_130  : i32 {
        %get3A_141 = arith.index_cast %scan3A_140 : i32 to index
        %get3A_142 = arith.constant 0 : index
        %get3A_143 = tpu.vector_load %arg11[%get3A_141, %get3A_142] {strides = array<i32>} : memref<128x64xf32, #tpu.memory_space<vmem>>, vector<16xf32>,
        %mul3A_144 = arith.constant 8.000000e+00 : f32
        %mul3A_145 = vector.broadcast %mul3A_144 : f32 to vector<16xf32>
        %mul3A_146 = arith.mulf %get3A_143, %mul3A_145 : vector<16xf32>
        %swap3A_147 = arith.index_cast %scan3A_140 : i32 to index
        %swap3A_148 = arith.constant 0 : index
        %swap3A_149 = tpu.vector_load %arg11[%swap3A_147, %swap3A_148] {strides = array<i32>} : memref<128x64xf32, #tpu.memory_space<vmem>>, vector<16xf32>,
        tpu.vector_store %arg11[%swap3A_147, %swap3A_148], %mul3A_146 {strides = array<i32>} : memref<128x64xf32, #tpu.memory_space<vmem>>, vector<16xf32>,
        %get3A_150 = arith.index_cast %scan3A_140 : i32 to index
        %get3A_151 = arith.constant 16 : index
        %get3A_152 = tpu.vector_load %arg11[%get3A_150, %get3A_151] {strides = array<i32>} : memref<128x64xf32, #tpu.memory_space<vmem>>, vector<16xf32>,
        %mul3A_153 = arith.constant 8.000000e+00 : f32
        %mul3A_154 = vector.broadcast %mul3A_153 : f32 to vector<16xf32>
        %mul3A_155 = arith.mulf %get3A_152, %mul3A_154 : vector<16xf32>
        %swap3A_156 = arith.index_cast %scan3A_140 : i32 to index
        %swap3A_157 = arith.constant 16 : index
        %swap3A_158 = tpu.vector_load %arg11[%swap3A_156, %swap3A_157] {strides = array<i32>} : memref<128x64xf32, #tpu.memory_space<vmem>>, vector<16xf32>,
        tpu.vector_store %arg11[%swap3A_156, %swap3A_157], %mul3A_155 {strides = array<i32>} : memref<128x64xf32, #tpu.memory_space<vmem>>, vector<16xf32>,
        %get3A_159 = arith.index_cast %scan3A_140 : i32 to index
        %get3A_160 = arith.constant 32 : index
        %get3A_161 = tpu.vector_load %arg11[%get3A_159, %get3A_160] {strides = array<i32>} : memref<128x64xf32, #tpu.memory_space<vmem>>, vector<16xf32>,
        %mul3A_162 = arith.constant 8.000000e+00 : f32
        %mul3A_163 = vector.broadcast %mul3A_162 : f32 to vector<16xf32>
        %mul3A_164 = arith.mulf %get3A_161, %mul3A_163 : vector<16xf32>
        %swap3A_165 = arith.index_cast %scan3A_140 : i32 to index
        %swap3A_166 = arith.constant 32 : index
        %swap3A_167 = tpu.vector_load %arg11[%swap3A_165, %swap3A_166] {strides = array<i32>} : memref<128x64xf32, #tpu.memory_space<vmem>>, vector<16xf32>,
        tpu.vector_store %arg11[%swap3A_165, %swap3A_166], %mul3A_164 {strides = array<i32>} : memref<128x64xf32, #tpu.memory_space<vmem>>, vector<16xf32>,
        %get3A_168 = arith.index_cast %scan3A_140 : i32 to index
        %get3A_169 = arith.constant 48 : index
        %get3A_170 = tpu.vector_load %arg11[%get3A_168, %get3A_169] {strides = array<i32>} : memref<128x64xf32, #tpu.memory_space<vmem>>, vector<16xf32>,
        %mul3A_171 = arith.constant 8.000000e+00 : f32
        %mul3A_172 = vector.broadcast %mul3A_171 : f32 to vector<16xf32>
        %mul3A_173 = arith.mulf %get3A_170, %mul3A_172 : vector<16xf32>
        %swap3A_174 = arith.index_cast %scan3A_140 : i32 to index
        %swap3A_175 = arith.constant 48 : index
        %swap3A_176 = tpu.vector_load %arg11[%swap3A_174, %swap3A_175] {strides = array<i32>} : memref<128x64xf32, #tpu.memory_space<vmem>>, vector<16xf32>,
        tpu.vector_store %arg11[%swap3A_174, %swap3A_175], %mul3A_173 {strides = array<i32>} : memref<128x64xf32, #tpu.memory_space<vmem>>, vector<16xf32>,
        %scan3A_177 = arith.constant 1 : i32
        %scan3A_178 = arith.addi %scan3A_140, %scan3A_177 : i32
        %get3A_179 = arith.index_cast %scan3A_178 : i32 to index
        %get3A_180 = arith.constant 0 : index
        %get3A_181 = tpu.vector_load %arg11[%get3A_179, %get3A_180] {strides = array<i32>} : memref<128x64xf32, #tpu.memory_space<vmem>>, vector<16xf32>,
        %mul3A_182 = arith.constant 8.000000e+00 : f32
        %mul3A_183 = vector.broadcast %mul3A_182 : f32 to vector<16xf32>
        %mul3A_184 = arith.mulf %get3A_181, %mul3A_183 : vector<16xf32>
        %swap3A_185 = arith.index_cast %scan3A_178 : i32 to index
        %swap3A_186 = arith.constant 0 : index
        %swap3A_187 = tpu.vector_load %arg11[%swap3A_185, %swap3A_186] {strides = array<i32>} : memref<128x64xf32, #tpu.memory_space<vmem>>, vector<16xf32>,
        tpu.vector_store %arg11[%swap3A_185, %swap3A_186], %mul3A_184 {strides = array<i32>} : memref<128x64xf32, #tpu.memory_space<vmem>>, vector<16xf32>,
        %get3A_188 = arith.index_cast %scan3A_178 : i32 to index
        %get3A_189 = arith.constant 16 : index
        %get3A_190 = tpu.vector_load %arg11[%get3A_188, %get3A_189] {strides = array<i32>} : memref<128x64xf32, #tpu.memory_space<vmem>>, vector<16xf32>,
        %mul3A_191 = arith.constant 8.000000e+00 : f32
        %mul3A_192 = vector.broadcast %mul3A_191 : f32 to vector<16xf32>
        %mul3A_193 = arith.mulf %get3A_190, %mul3A_192 : vector<16xf32>
        %swap3A_194 = arith.index_cast %scan3A_178 : i32 to index
        %swap3A_195 = arith.constant 16 : index
        %swap3A_196 = tpu.vector_load %arg11[%swap3A_194, %swap3A_195] {strides = array<i32>} : memref<128x64xf32, #tpu.memory_space<vmem>>, vector<16xf32>,
        tpu.vector_store %arg11[%swap3A_194, %swap3A_195], %mul3A_193 {strides = array<i32>} : memref<128x64xf32, #tpu.memory_space<vmem>>, vector<16xf32>,
        %get3A_197 = arith.index_cast %scan3A_178 : i32 to index
        %get3A_198 = arith.constant 32 : index
        %get3A_199 = tpu.vector_load %arg11[%get3A_197, %get3A_198] {strides = array<i32>} : memref<128x64xf32, #tpu.memory_space<vmem>>, vector<16xf32>,
        %mul3A_200 = arith.constant 8.000000e+00 : f32
        %mul3A_201 = vector.broadcast %mul3A_200 : f32 to vector<16xf32>
        %mul3A_202 = arith.mulf %get3A_199, %mul3A_201 : vector<16xf32>
        %swap3A_203 = arith.index_cast %scan3A_178 : i32 to index
        %swap3A_204 = arith.constant 32 : index
        %swap3A_205 = tpu.vector_load %arg11[%swap3A_203, %swap3A_204] {strides = array<i32>} : memref<128x64xf32, #tpu.memory_space<vmem>>, vector<16xf32>,
        tpu.vector_store %arg11[%swap3A_203, %swap3A_204], %mul3A_202 {strides = array<i32>} : memref<128x64xf32, #tpu.memory_space<vmem>>, vector<16xf32>,
        %get3A_206 = arith.index_cast %scan3A_178 : i32 to index
        %get3A_207 = arith.constant 48 : index
        %get3A_208 = tpu.vector_load %arg11[%get3A_206, %get3A_207] {strides = array<i32>} : memref<128x64xf32, #tpu.memory_space<vmem>>, vector<16xf32>,
        %mul3A_209 = arith.constant 8.000000e+00 : f32
        %mul3A_210 = vector.broadcast %mul3A_209 : f32 to vector<16xf32>
        %mul3A_211 = arith.mulf %get3A_208, %mul3A_210 : vector<16xf32>
        %swap3A_212 = arith.index_cast %scan3A_178 : i32 to index
        %swap3A_213 = arith.constant 48 : index
        %swap3A_214 = tpu.vector_load %arg11[%swap3A_212, %swap3A_213] {strides = array<i32>} : memref<128x64xf32, #tpu.memory_space<vmem>>, vector<16xf32>,
        tpu.vector_store %arg11[%swap3A_212, %swap3A_213], %mul3A_211 {strides = array<i32>} : memref<128x64xf32, #tpu.memory_space<vmem>>, vector<16xf32>,
        %scan3A_215 = arith.constant 2 : i32
        %scan3A_216 = arith.addi %scan3A_140, %scan3A_215 : i32
        %get3A_217 = arith.index_cast %scan3A_216 : i32 to index
        %get3A_218 = arith.constant 0 : index
        %get3A_219 = tpu.vector_load %arg11[%get3A_217, %get3A_218] {strides = array<i32>} : memref<128x64xf32, #tpu.memory_space<vmem>>, vector<16xf32>,
        %mul3A_220 = arith.constant 8.000000e+00 : f32
        %mul3A_221 = vector.broadcast %mul3A_220 : f32 to vector<16xf32>
        %mul3A_222 = arith.mulf %get3A_219, %mul3A_221 : vector<16xf32>
        %swap3A_223 = arith.index_cast %scan3A_216 : i32 to index
        %swap3A_224 = arith.constant 0 : index
        %swap3A_225 = tpu.vector_load %arg11[%swap3A_223, %swap3A_224] {strides = array<i32>} : memref<128x64xf32, #tpu.memory_space<vmem>>, vector<16xf32>,
        tpu.vector_store %arg11[%swap3A_223, %swap3A_224], %mul3A_222 {strides = array<i32>} : memref<128x64xf32, #tpu.memory_space<vmem>>, vector<16xf32>,
        %get3A_226 = arith.index_cast %scan3A_216 : i32 to index
        %get3A_227 = arith.constant 16 : index
        %get3A_228 = tpu.vector_load %arg11[%get3A_226, %get3A_227] {strides = array<i32>} : memref<128x64xf32, #tpu.memory_space<vmem>>, vector<16xf32>,
        %mul3A_229 = arith.constant 8.000000e+00 : f32
        %mul3A_230 = vector.broadcast %mul3A_229 : f32 to vector<16xf32>
        %mul3A_231 = arith.mulf %get3A_228, %mul3A_230 : vector<16xf32>
        %swap3A_232 = arith.index_cast %scan3A_216 : i32 to index
        %swap3A_233 = arith.constant 16 : index
        %swap3A_234 = tpu.vector_load %arg11[%swap3A_232, %swap3A_233] {strides = array<i32>} : memref<128x64xf32, #tpu.memory_space<vmem>>, vector<16xf32>,
        tpu.vector_store %arg11[%swap3A_232, %swap3A_233], %mul3A_231 {strides = array<i32>} : memref<128x64xf32, #tpu.memory_space<vmem>>, vector<16xf32>,
        %get3A_235 = arith.index_cast %scan3A_216 : i32 to index
        %get3A_236 = arith.constant 32 : index
        %get3A_237 = tpu.vector_load %arg11[%get3A_235, %get3A_236] {strides = array<i32>} : memref<128x64xf32, #tpu.memory_space<vmem>>, vector<16xf32>,
        %mul3A_238 = arith.constant 8.000000e+00 : f32
        %mul3A_239 = vector.broadcast %mul3A_238 : f32 to vector<16xf32>
        %mul3A_240 = arith.mulf %get3A_237, %mul3A_239 : vector<16xf32>
        %swap3A_241 = arith.index_cast %scan3A_216 : i32 to index
        %swap3A_242 = arith.constant 32 : index
        %swap3A_243 = tpu.vector_load %arg11[%swap3A_241, %swap3A_242] {strides = array<i32>} : memref<128x64xf32, #tpu.memory_space<vmem>>, vector<16xf32>,
        tpu.vector_store %arg11[%swap3A_241, %swap3A_242], %mul3A_240 {strides = array<i32>} : memref<128x64xf32, #tpu.memory_space<vmem>>, vector<16xf32>,
        %get3A_244 = arith.index_cast %scan3A_216 : i32 to index
        %get3A_245 = arith.constant 48 : index
        %get3A_246 = tpu.vector_load %arg11[%get3A_244, %get3A_245] {strides = array<i32>} : memref<128x64xf32, #tpu.memory_space<vmem>>, vector<16xf32>,
        %mul3A_247 = arith.constant 8.000000e+00 : f32
        %mul3A_248 = vector.broadcast %mul3A_247 : f32 to vector<16xf32>
        %mul3A_249 = arith.mulf %get3A_246, %mul3A_248 : vector<16xf32>
        %swap3A_250 = arith.index_cast %scan3A_216 : i32 to index
        %swap3A_251 = arith.constant 48 : index
        %swap3A_252 = tpu.vector_load %arg11[%swap3A_250, %swap3A_251] {strides = array<i32>} : memref<128x64xf32, #tpu.memory_space<vmem>>, vector<16xf32>,
        tpu.vector_store %arg11[%swap3A_250, %swap3A_251], %mul3A_249 {strides = array<i32>} : memref<128x64xf32, #tpu.memory_space<vmem>>, vector<16xf32>,
        %scan3A_253 = arith.constant 3 : i32
        %scan3A_254 = arith.addi %scan3A_140, %scan3A_253 : i32
        %get3A_255 = arith.index_cast %scan3A_254 : i32 to index
        %get3A_256 = arith.constant 0 : index
        %get3A_257 = tpu.vector_load %arg11[%get3A_255, %get3A_256] {strides = array<i32>} : memref<128x64xf32, #tpu.memory_space<vmem>>, vector<16xf32>,
        %mul3A_258 = arith.constant 8.000000e+00 : f32
        %mul3A_259 = vector.broadcast %mul3A_258 : f32 to vector<16xf32>
        %mul3A_260 = arith.mulf %get3A_257, %mul3A_259 : vector<16xf32>
        %swap3A_261 = arith.index_cast %scan3A_254 : i32 to index
        %swap3A_262 = arith.constant 0 : index
        %swap3A_263 = tpu.vector_load %arg11[%swap3A_261, %swap3A_262] {strides = array<i32>} : memref<128x64xf32, #tpu.memory_space<vmem>>, vector<16xf32>,
        tpu.vector_store %arg11[%swap3A_261, %swap3A_262], %mul3A_260 {strides = array<i32>} : memref<128x64xf32, #tpu.memory_space<vmem>>, vector<16xf32>,
        %get3A_264 = arith.index_cast %scan3A_254 : i32 to index
        %get3A_265 = arith.constant 16 : index
        %get3A_266 = tpu.vector_load %arg11[%get3A_264, %get3A_265] {strides = array<i32>} : memref<128x64xf32, #tpu.memory_space<vmem>>, vector<16xf32>,
        %mul3A_267 = arith.constant 8.000000e+00 : f32
        %mul3A_268 = vector.broadcast %mul3A_267 : f32 to vector<16xf32>
        %mul3A_269 = arith.mulf %get3A_266, %mul3A_268 : vector<16xf32>
        %swap3A_270 = arith.index_cast %scan3A_254 : i32 to index
        %swap3A_271 = arith.constant 16 : index
        %swap3A_272 = tpu.vector_load %arg11[%swap3A_270, %swap3A_271] {strides = array<i32>} : memref<128x64xf32, #tpu.memory_space<vmem>>, vector<16xf32>,
        tpu.vector_store %arg11[%swap3A_270, %swap3A_271], %mul3A_269 {strides = array<i32>} : memref<128x64xf32, #tpu.memory_space<vmem>>, vector<16xf32>,
        %get3A_273 = arith.index_cast %scan3A_254 : i32 to index
        %get3A_274 = arith.constant 32 : index
        %get3A_275 = tpu.vector_load %arg11[%get3A_273, %get3A_274] {strides = array<i32>} : memref<128x64xf32, #tpu.memory_space<vmem>>, vector<16xf32>,
        %mul3A_276 = arith.constant 8.000000e+00 : f32
        %mul3A_277 = vector.broadcast %mul3A_276 : f32 to vector<16xf32>
        %mul3A_278 = arith.mulf %get3A_275, %mul3A_277 : vector<16xf32>
        %swap3A_279 = arith.index_cast %scan3A_254 : i32 to index
        %swap3A_280 = arith.constant 32 : index
        %swap3A_281 = tpu.vector_load %arg11[%swap3A_279, %swap3A_280] {strides = array<i32>} : memref<128x64xf32, #tpu.memory_space<vmem>>, vector<16xf32>,
        tpu.vector_store %arg11[%swap3A_279, %swap3A_280], %mul3A_278 {strides = array<i32>} : memref<128x64xf32, #tpu.memory_space<vmem>>, vector<16xf32>,
        %get3A_282 = arith.index_cast %scan3A_254 : i32 to index
        %get3A_283 = arith.constant 48 : index
        %get3A_284 = tpu.vector_load %arg11[%get3A_282, %get3A_283] {strides = array<i32>} : memref<128x64xf32, #tpu.memory_space<vmem>>, vector<16xf32>,
        %mul3A_285 = arith.constant 8.000000e+00 : f32
        %mul3A_286 = vector.broadcast %mul3A_285 : f32 to vector<16xf32>
        %mul3A_287 = arith.mulf %get3A_284, %mul3A_286 : vector<16xf32>
        %swap3A_288 = arith.index_cast %scan3A_254 : i32 to index
        %swap3A_289 = arith.constant 48 : index
        %swap3A_290 = tpu.vector_load %arg11[%swap3A_288, %swap3A_289] {strides = array<i32>} : memref<128x64xf32, #tpu.memory_space<vmem>>, vector<16xf32>,
        tpu.vector_store %arg11[%swap3A_288, %swap3A_289], %mul3A_287 {strides = array<i32>} : memref<128x64xf32, #tpu.memory_space<vmem>>, vector<16xf32>,
      }
      %scan3A_131 = arith.constant 128 : i32
      %dma_start3A_132 = arith.constant 0 : i32
      %dma_start3A_133 = arith.constant 0 : i32
      %dma_start3A_134 = tpu.memref_slice %arg4[%add3A, %add3A_107, %dma_start3A_132, %dma_start3A_133] : memref<32x200x128x64xf32, #tpu.memory_space<hbm>> -> memref<1x1x128x64xf32, #tpu.memory_space<hbm>>
      %dma_start3A_135 = tpu.memref_squeeze %dma_start3A_134 : memref<1x1x128x64xf32, #tpu.memory_space<hbm>> -> memref<128x64xf32, #tpu.memory_space<hbm>>
      %dma_start3A_136 = arith.constant 0 : i32
      %dma_start3A_137 = arith.constant 0 : i32
      %dma_start3A_138 = tpu.memref_slice %arg4[%add3A, %add3A_107, %dma_start3A_136, %dma_start3A_137] : memref<32x200x128x64xf32, #tpu.memory_space<hbm>> -> memref<1x1x128x64xf32, #tpu.memory_space<hbm>>
      %dma_start3A_139 = tpu.memref_squeeze %dma_start3A_138 : memref<1x1x128x64xf32, #tpu.memory_space<hbm>> -> memref<128x64xf32, #tpu.memory_space<hbm>>
      tpu.enqueue_dma source(%arg11 : memref<128x64xf32, #tpu.memory_space<vmem>>) target(%dma_start3A_139 : memref<128x64xf32, #tpu.memory_space<hbm>>) target_semaphore(%arg19 : memref<!tpu.dma_semaphore, #tpu.memory_space<semaphore_mem>>)
    }
    %scan3A_52 = arith.constant 100 : i32
    %dma_wait3A = arith.constant 0 : i32
    %dma_wait3A_53 = arith.constant 0 : i32
    %dma_wait3A_54 = arith.constant 0 : i32
    %dma_wait3A_55 = tpu.memref_slice %arg4[%add3A, %dma_wait3A, %dma_wait3A_53, %dma_wait3A_54] : memref<32x200x128x64xf32, #tpu.memory_space<hbm>> -> memref<1x1x128x64xf32, #tpu.memory_space<hbm>>
    %dma_wait3A_56 = tpu.memref_squeeze %dma_wait3A_55 : memref<1x1x128x64xf32, #tpu.memory_space<hbm>> -> memref<128x64xf32, #tpu.memory_space<hbm>>
    %dma_wait3A_57 = arith.constant 0 : i32
    %dma_wait3A_58 = arith.constant 0 : i32
    %dma_wait3A_59 = tpu.memref_slice %arg4[%add3A, %dma_wait3A, %dma_wait3A_57, %dma_wait3A_58] : memref<32x200x128x64xf32, #tpu.memory_space<hbm>> -> memref<1x1x128x64xf32, #tpu.memory_space<hbm>>
    %dma_wait3A_60 = tpu.memref_squeeze %dma_wait3A_59 : memref<1x1x128x64xf32, #tpu.memory_space<hbm>> -> memref<128x64xf32, #tpu.memory_space<hbm>>
    tpu.wait_dma2 semaphore(%arg18 : memref<!tpu.dma_semaphore, #tpu.memory_space<semaphore_mem>>) src(%arg10 : memref<128x64xf32, #tpu.memory_space<vmem>>) dst(%dma_wait3A_60 : memref<128x64xf32, #tpu.memory_space<hbm>>)
    %dma_wait3A_61 = arith.constant 0 : i32
    %dma_wait3A_62 = arith.constant 0 : i32
    %dma_wait3A_63 = arith.constant 0 : i32
    %dma_wait3A_64 = tpu.memref_slice %arg4[%add3A, %dma_wait3A_61, %dma_wait3A_62, %dma_wait3A_63] : memref<32x200x128x64xf32, #tpu.memory_space<hbm>> -> memref<1x1x128x64xf32, #tpu.memory_space<hbm>>
    %dma_wait3A_65 = tpu.memref_squeeze %dma_wait3A_64 : memref<1x1x128x64xf32, #tpu.memory_space<hbm>> -> memref<128x64xf32, #tpu.memory_space<hbm>>
    %dma_wait3A_66 = arith.constant 0 : i32
    %dma_wait3A_67 = arith.constant 0 : i32
    %dma_wait3A_68 = tpu.memref_slice %arg4[%add3A, %dma_wait3A_61, %dma_wait3A_66, %dma_wait3A_67] : memref<32x200x128x64xf32, #tpu.memory_space<hbm>> -> memref<1x1x128x64xf32, #tpu.memory_space<hbm>>
    %dma_wait3A_69 = tpu.memref_squeeze %dma_wait3A_68 : memref<1x1x128x64xf32, #tpu.memory_space<hbm>> -> memref<128x64xf32, #tpu.memory_space<hbm>>
    tpu.wait_dma2 semaphore(%arg19 : memref<!tpu.dma_semaphore, #tpu.memory_space<semaphore_mem>>) src(%arg11 : memref<128x64xf32, #tpu.memory_space<vmem>>) dst(%dma_wait3A_69 : memref<128x64xf32, #tpu.memory_space<hbm>>)
    return
  }
}

</mosaic_0001>

<sc_bundles>
// kernel: kernel.3.cloned.1.call-start
scs
__scs_entry_jumppad:
0x0: {  	(pc) =	sbr.rel $0x88, $3  }
0x1: {  	(tag) =	ssettag $0x0;
	lr =	simm.s32 $0x1  }
0x2: {  	[smem:$0x3F9F] =	sst lr;
	_ =	strace $0xD0000000  }
0x3: {  	_ = 	snop  }
0x4: {  	_ = 	snop  }
0x5: {  	_ = 	snop  }
0x6: {  	_ = 	snop  }
0x7: {  	_ = 	snop  }
__scs_overlays_trampoline_lowered:
0x8: {  	[smem:$0x3FAE] =	sst s0  }
0x9: {  	[smem:$0x3FAF] =	sst s1  }
0xa: {  	[smem:$0x3FB0] =	sst s2  }
0xb: {  	[smem:$0x3FB1] =	sst s3  }
0xc: {  	[smem:$0x3FB2] =	sst s4  }
0xd: {  	[smem:$0x3FB3] =	sst s5  }
0xe: {  	[smem:$0x3FB4] =	sst s6  }
0xf: {  	[smem:$0x3FB5] =	sst s7  }
0x10: {  	[smem:$0x3FB6] =	sst s8  }
0x11: {  	[smem:$0x3FB7] =	sst s9;
	s0 =	simm.s32 @!p0 $0x0  }
0x12: {  	s1 =	sld [smem:$0x3F9D];
	s0 =	simm.s32 @p0 $0x1  }
0x13: {  	[smem:$0x3FB8] =	sst s0;
	s0 =	simm.s32 @!p1 $0x0  }
0x14: {  	s2 =	sld [smem:$0x3F9C];
	s0 =	simm.s32 @p1 $0x1  }
0x15: {  	[smem:$0x3FB9] =	sst s0;
	s0 =	simm.s32 @!p2 $0x0  }
0x16: {  	s3 =	sld [smem:$0x3FDB];
	s0 =	simm.s32 @p2 $0x1  }
0x17: {  	s4 =	simm.s32 $0x1BF5;
	[smem:$0x3FBB] =	sst s0  }
0x18: {  	s0 =	sld [smem:$0x3F9E];
	_ =	swait.ge [sflag:s4], $0x0  }
0x19: {  	s7 =	sld [smem:$0x3F9F]  }
0x1a: {  	s8 =	sadd.s32 $0xFFFFE003, lr  }
0x1b: {  	s9 =	sadd.s32 $0xFFFFFEF7, lr;
	s5 =	simm.s32 $0xFFFFFFFF;
	p2 =	slt.u32 s8, $0xFFFFF086  }
0x1c: {  	p1 =	slt.u32 s9, $0xF7A;
	s5 =	simm.s32 @!p2 $0x0  }
0x1d: {  	s5 =	simm.s32 @p1 $0x1;
	p0 =	seq.s32 s7, s2  }
0x1e: {  	s7 =	smul.u32 @!p0 $0xF7A, s2;
	p2 =	seq.s32 @!p0 s5, $0x0  }
0x1f: {  	s9 =	smul.u32 $0xF7A, s1;
	s8 =	simm.s32 @!p0 $0x1BF5;
	p2 =	por !p2, p0  }
0x20: {  	[sflag:s8] =	ssyncset.s32 @!p0 $0xFFFFF086;
	s6 =	sadd.s32 @!p0 s3, s7;
	s7 =	simm.s32 @!p0 $0x108  }
0x21: {  	s3 =	sadd.s32 s3, s9;
	s6 =	sadd.s32 @!p0 $0x88, s6;
	s7 =	simm.s32 @p2 $0x1082  }
0x22: {  	[simem:s7], [sflag:s8] =	dma.local @!p0 [hbm:s6], $0xF7A  }
0x23: {  	s9 =	sor.u32 $0xD0000000, s2;
	s6 =	simm.s32 $0x108;
	_ =	swait.ge @!p0 [sflag:s8], $0x0  }
0x24: {  	s3 =	sadd.s32 $0x88, s3;
	s6 =	simm.s32 @!p1 $0x1082;
	[sflag:s4] =	ssyncset.s32 $0xFFFFF086  }
0x25: {  	[simem:s6], [sflag:s4] =	dma.local [hbm:s3], $0xF7A  }
0x26: {  	[smem:$0x3F9F] =	sst s1;
	(tag) =	ssettag s2;
	_ =	strace s9  }
0x27: {  	s1 =	sld [smem:$0x3FAF]  }
0x28: {  	s2 =	sld [smem:$0x3FB0]  }
0x29: {  	s4 =	sld [smem:$0x3FB2]  }
0x2a: {  	p0 =	seq.s32 s5, $0x0;
	s5 =	sld [smem:$0x3FB3]  }
0x2b: {  	s6 =	sld [smem:$0x3FB4]  }
0x2c: {  	s7 =	sld [smem:$0x3FB5]  }
0x2d: {  	s3 =	simm.s32 $0x108;
	s8 =	sld [smem:$0x3FB6]  }
0x2e: {  	s3 =	simm.s32 @!p0 $0x1082;
	s9 =	sld [smem:$0x3FB7]  }
0x2f: {  	lr =	sadd.s32 s0, s3;
	s0 =	sld [smem:$0x3FAE]  }
0x30: {  	s3 =	sld [smem:$0x3FB1]  }
0x31: {  	[smem:$0x3FBA] =	sst s10  }
0x32: {  	s10 =	sld [smem:$0x3FB8];
	_ =	sdelay $0x3  }
0x33: {  	p0 =	seq.s32 s10, $0x1;
	s10 =	sld [smem:$0x3FBA];
	_ =	sdelay $0x3  }
0x34: {  	[smem:$0x3FBA] =	sst s10  }
0x35: {  	s10 =	sld [smem:$0x3FB9];
	_ =	sdelay $0x3  }
0x36: {  	p1 =	seq.s32 s10, $0x1;
	s10 =	sld [smem:$0x3FBA];
	_ =	sdelay $0x3  }
0x37: {  	[smem:$0x3FBA] =	sst s10  }
0x38: {  	s10 =	sld [smem:$0x3FBB]  }
0x39: {  	_ = 	snop;
	(pc) =	sbr.ind lr, $3  }
0x3a: {  	_ = 	snop  }
0x3b: {  	_ = 	snop  }
0x3c: {  	p2 =	seq.s32 s10, $0x1;
	s10 =	sld [smem:$0x3FBA]  }
0x3d: {  	_ =	shalt  }
0x3e: {  	_ =	shalt  }
0x3f: {  	_ =	shalt  }
0x40: {  	_ =	shalt  }
0x41: {  	_ =	shalt  }
0x42: {  	_ =	shalt  }
0x43: {  	_ =	shalt  }
0x44: {  	_ =	shalt  }
0x45: {  	_ =	shalt  }
0x46: {  	_ =	shalt  }
0x47: {  	_ =	shalt  }
0x48: {  	_ =	shalt  }
0x49: {  	_ =	shalt  }
0x4a: {  	_ =	shalt  }
0x4b: {  	_ =	shalt  }
0x4c: {  	_ =	shalt  }
0x4d: {  	_ =	shalt  }
0x4e: {  	_ =	shalt  }
0x4f: {  	_ =	shalt  }
0x50: {  	_ =	shalt  }
0x51: {  	_ =	shalt  }
0x52: {  	_ =	shalt  }
0x53: {  	_ =	shalt  }
0x54: {  	_ =	shalt  }
0x55: {  	_ =	shalt  }
0x56: {  	_ =	shalt  }
0x57: {  	_ =	shalt  }
0x58: {  	_ =	shalt  }
0x59: {  	_ =	shalt  }
0x5a: {  	_ =	shalt  }
0x5b: {  	_ =	shalt  }
0x5c: {  	_ =	shalt  }
0x5d: {  	_ =	shalt  }
0x5e: {  	_ =	shalt  }
0x5f: {  	_ =	shalt  }
0x60: {  	_ =	shalt  }
0x61: {  	_ =	shalt  }
0x62: {  	_ =	shalt  }
0x63: {  	_ =	shalt  }
0x64: {  	_ =	shalt  }
0x65: {  	_ =	shalt  }
0x66: {  	_ =	shalt  }
0x67: {  	_ =	shalt  }
0x68: {  	_ =	shalt  }
0x69: {  	_ =	shalt  }
0x6a: {  	_ =	shalt  }
0x6b: {  	_ =	shalt  }
0x6c: {  	_ =	shalt  }
0x6d: {  	_ =	shalt  }
0x6e: {  	_ =	shalt  }
0x6f: {  	_ =	shalt  }
0x70: {  	_ =	shalt  }
0x71: {  	_ =	shalt  }
0x72: {  	_ =	shalt  }
0x73: {  	_ =	shalt  }
0x74: {  	_ =	shalt  }
0x75: {  	_ =	shalt  }
0x76: {  	_ =	shalt  }
0x77: {  	_ =	shalt  }
0x78: {  	_ =	shalt  }
0x79: {  	_ =	shalt  }
0x7a: {  	_ =	shalt  }
0x7b: {  	_ =	shalt  }
0x7c: {  	_ =	shalt  }
0x7d: {  	_ =	shalt  }
0x7e: {  	_ =	shalt  }
0x7f: {  	_ =	shalt  }
0x80: {  	_ =	shalt  }
0x81: {  	_ =	shalt  }
0x82: {  	_ =	shalt  }
0x83: {  	_ =	shalt  }
0x84: {  	_ =	shalt  }
0x85: {  	_ =	shalt  }
0x86: {  	_ =	shalt  }
0x87: {  	_ =	shalt  }
.Lfunc_end0:
.L_simem_size_0:
called_computation.1_lowered:
.L_overlay_start_0:
0x88: {  	s2 =	sld [smem:$0x3FD9]  }
0x89: {  	s3 =	sld [smem:$0x3FFE];
	_ =	sdelay $0x1  }
0x8a: {  	s1 =	srdreg.scid  }
0x8b: {  	s0 =	sand.u32 $0x1, s1  }
0x8c: {  	s18 =	sshll.u32 s0, $0xA;
	s2 =	sadd.s32 s3, s2  }
0x8d: {  	s3 =	sadd.s32 s2, s18  }
0x8e: {  	[smem:$0x3FC6] =	sst s3  }
0x8f: {  	_ = 	snop  }
0x90: {  	s3 =	sld [smem:$0x3FD0];
	(tm) =	ssettm $0x1  }
0x91: {  	s4 =	sld [smem:$0x3FFB];
	_ =	sdelay $0x3  }
0x92: {  	_ =	strace s4  }
0x93: {  	s4 =	sld [smem:$0x3FFC];
	_ =	sdelay $0x3  }
0x94: {  	_ =	strace s4  }
0x95: {  	s4 =	sld [smem:$0x3FFD];
	_ =	sdelay $0x3  }
0x96: {  	_ =	strace s4  }
0x97: {  	_ =	strace $0x8FFFFFFF  }
0x98: {  	s19 =	sld [smem:$0x3FDB];
	_ =	sdelay $0x1  }
0x99: {  	s5 =	simm.s32 $_scs_section_size  }
0x9a: {  	s6 =	simm.s32 $_size__tile_overlayer_lowered;
	s7 =	simm.s32 $_tile_overlayer_lowered  }
0x9b: {  	s22 =	simm.s32 $0x1BFF;
	s21 =	sshll.u32 s7, $0x1;
	s4 =	sadd.s32 s5, s19  }
0x9c: {  	s8 =	simm.s32 $0x0;
	s20 =	sshll.u32 s6, $0x1;
	s6 =	sadd.s32 s21, s4  }
0x9d: {  	[timem:s8], [sflag:s22] =	dma.local [hbm:s6], s20  }
0x9e: {  	_ =	swait.ge [sflag:s22], s20  }
0x9f: {  	s5 =	ssub.s32 $0x0, s20;
	[sflag:s22] =	ssyncset.done $0x0  }
0xa0: {  	[sflag:s22] =	ssyncadd.s32 s5;
	_ =	sdelay $0x1  }
0xa1: {  	s23 =	simm.s32 $0x1B8B  }
0xa2: {  	_ =	swait.ge [sflag:s23], $0x1  }
0xa3: {  	[sflag:s23] =	ssyncset.done $0x0  }
0xa4: {  	s25 =	simm.s32 $0x1B8E;
	s24 =	sld [smem:$0x3FFE];
	[sflag:s23] =	ssyncadd.s32 $0xFFFFFFFF  }
0xa5: {  	s26 =	simm.s32 $execute0_lowered;
	[smem:$0x3FD2] =	sst s25  }
0xa6: {  	s6 =	sshll.u32 s26, $0x1;
	_ =	strace $0x80000046;
	[dreg:$0x1] =	wrdreg $0xFFFFFFFF  }
0xa7: {  	s28 =	simm.s32 $_size_execute0_lowered;
	s4 =	sadd.s32 s4, s6;
	[dreg:$0x0] =	wrdreg $0x0  }
0xa8: {  	s6 =	sshll.u32 s28, $0x1;
	[dreg:$0x2] =	wrdreg s4  }
0xa9: {  	[dreg:$0x3] =	wrdreg s6  }
0xaa: {  	[dreg:$0x4] =	wrdreg $0xC0  }
0xab: {  	_ =	task [dreg:s8], $0x5FFFF  }
0xac: {  	[dreg:$0x1] =	wrdreg $0xFFFFFFFF  }
0xad: {  	[dreg:$0x0] =	wrdreg $0x60  }
0xae: {  	[dreg:$0x2] =	wrdreg s3  }
0xaf: {  	s2 =	sadd.s32 $0x800, s2;
	[dreg:$0x3] =	wrdreg s24  }
0xb0: {  	[dreg:$0x4] =	wrdreg s2  }
0xb1: {  	[dreg:$0x5] =	wrdreg $0x9  }
0xb2: {  	_ =	task.clear_ibuf [dreg:s8], $0x6FFFF;
	_ =	strace $0x90000046  }
0xb3: {  	s29 =	simm.s32 $0x9;
	_ =	strace $0x80000048  }
0xb4: {  	_ =	swait.ge [sflag:s29], $0x1  }
0xb5: {  	[sflag:s29] =	ssyncadd.s32 $0xFFFFFFFF  }
0xb6: {  	_ =	strace $0x90000048  }
0xb7: {  	_ =	sfence  }
0xb8: {  	s30 =	sld [smem:$0x0];
	_ =	sdelay $0x2  }
0xb9: {  	s31 =	sshll.u32 s1, $0xD;
	s1 =	sshrl.u32 s1, $0x2  }
0xba: {  	s3 =	sand.u32 $0x4000, s31;
	s1 =	sadd.s32 s1, s30  }
0xbb: {  	s0 =	sor.u32 s3, s0;
	s1 =	sshll.u32 s1, $0x11  }
0xbc: {  	s0 =	sor.u32 s1, s0  }
0xbd: {  	s0 =	sadd.s32 $0x8F2B, s0  }
0xbe: {  	[sflag:s0] =	ssyncadd.remote.s32 $0x1  }
0xbf: {  	_ =	sfence.sel $0xFFFF  }
0xc0: {  	[dreg:$0x0] =	wrdreg $0xFFFFFFFF;
	(pc) =	sbr.abs _section_cstart, $3  }
0xc1: {  	[dreg:$0x1] =	wrdreg $0xFFFFFFFF  }
0xc2: {  	_ =	task.clear_ibuf [dreg:s8], $0x2FFFF;
	_ =	strace $0x9FFFFFFF  }
0xc3: {  	(tm) =	ssettm $0x7FFFFFFF  }
tec
execute0_lowered:
.L_overlay_start_1:
0x0: {  	(tag) =	ssettag $0x1  }
0x1: {  	s0 =	rddreg [dreg:$0x0]  }
0x2: {  	s8 =	rddreg [dreg:$0x1]  }
0x3: {  	s2 =	rddreg [dreg:$0x2];
	s4 =	srdreg.scid  }
0x4: {  	s1 =	stileid.u32;
	s3 =	simm.s32 $0x0;
	s14 =	simm.s32 $0x9  }
0x5: {  	s31 =	simm.s32 $0x6880;
	s18 =	simm.s32 $0x80;
	s19 =	simm.s32 $0x7880  }
0x6: {  	s20 =	simm.s32 $0xB880;
	s21 =	simm.s32 $0x3;
	s22 =	simm.s32 $0x4  }
0x7: {  	s23 =	simm.s32 $0x6;
	s9 =	sand.u32 $0x1, s4;
	[smem:$0x7FF] =	sst s3  }
0x8: {  	s24 =	sshll.u32 s1, $0x1;
	s6 =	sadd.s32 $0xF42C00, s8;
	s26 =	sadd.s32 $0xF42800, s8  }
0x9: {  	s5 =	sadd.s32 $0x800, s8;
	s29 =	sshll.u32 s1, $0xC;
	s30 =	sadd.s32 $0xF42400, s2  }
0xa: {  	s7 =	ssub.s32 $0x2, s9;
	_ =	strace $0x80000047;
	[dreg:$0x4] =	wrdreg s26  }
0xb: {  	s4 =	sor.u32 s9, s24;
	s12 =	sshll.u32 s9, $0xB;
	[dreg:$0x6] =	wrdreg s30  }
0xc: {  	[dreg:$0x5] =	wrdreg s31;
	s24 =	simm.s32 $0x5;
	s11 =	smul.u32 $0xC80, s4  }
0xd: {  	s10 =	sshrl.u32 s7, $0x1;
	s25 =	sshll.u32 s4, $0xB;
	s28 =	sshll.u32 s4, $0x4  }
0xe: {  	s9 =	smul.u32 $0x320000, s4;
	s10 =	ssub.s32 s7, s10;
	s0 =	sadd.s32 s0, s11  }
0xf: {  	s10 =	smax.u32 s10, $0x1;
	[dreg:$0x7] =	wrdreg s0;
	s0 =	sadd.s32 s5, s25  }
0x10: {  	s11 =	sor.u32 s12, s29;
	[dreg:$0x8] =	wrdreg s0;
	s0 =	sor.u32 $0xF42400, s28  }
0x11: {  	v0 =	vimm.s32 $0x0;
	s12 =	sadd.s32 s5, s11;
	s25 =	simm.s32 $0x0;
	s16 =	sadd.s32 s2, s0  }
.LBB2_1:
0x12: {  	s0 =	simm.s32 $0x6400  }
0x13: {  	[tilespmem:s0], [sflag:$0x9] =	stream.linear.gather [hbm4b:s5+s3], $0x400, $0x38;
	[tilespmem:$0x17880] =	vst v63  }
0x14: {  	_ =	swait.ge [sflag:s14], $0x400  }
0x15: {  	[sflag:s14] =	ssyncset.done $0x0  }
0x16: {  	[sflag:s14] =	ssyncadd.s32 $0xFFFFFC00  }
0x17: {  	v1 =	vld [tilespmem:$0x6400];
	_ =	sdelay $0x4  }
0x18: {  	v1 =	vmul.f32 $3.000000000e+00, v1;
	_ =	sdelay $0x1  }
0x19: {  	v1 =	vadd.f32 $1.337000010e+00, v1;
	_ =	sdelay $0x1  }
0x1a: {  	[tilespmem:$0x6800] =	vst v1  }
0x1b: {  	[tilespmem:$0x6810] =	vst v1  }
0x1c: {  	[tilespmem:$0x6820] =	vst v1  }
0x1d: {  	s1 =	simm.s32 $0xF880;
	s13 =	rddreg [dreg:$0x7];
	[tilespmem:$0x6830] =	vst v1  }
0x1e: {  	[tilespmem:s3], [sflag:$0x9] =	stream.linear.gather [hbm4b:s13+s3], $0x6400, $0x38;
	[tilespmem:$0x17880] =	vst v63  }
0x1f: {  	p2 =	por $0x1, $0x1;
	s26 =	sadd.s32 $0x20, s4;
	_ =	swait.ge [sflag:s14], $0x6400  }
0x20: {  	p1 =	slt.u32 s4, $0x1E84;
	s17 =	sadd.s32 $0x0, s11;
	[sflag:s14] =	ssyncset.done $0x0  }
0x21: {  	s0 =	simm.s32 @!p2 $0x8;
	s15 =	rddreg [dreg:$0x8];
	[sflag:s14] =	ssyncadd.s32 $0xFFFF9C00  }
0x22: {  	[tilespmem:s1], [sflag:$0x1] =	stream.linear.gather [hbm4b:s15+s3], $0x4000, $0x38;
	[tilespmem:$0x17880] =	vst v63  }
0x23: {  	p0 =	sgt.u32 s26, $0x1E83;
	s29 =	simm.s32 @p1 $0x1;
	_ =	swait.ge @!p2 [sflag:s0], $0x4000  }
0x24: {  	s28 =	sadd.s32 @!p0 $0x0, s12;
	s26 =	simm.s32 @!p0 $0x0;
	[sflag:s0] =	ssyncset.done @!p2 $0x0  }
0x25: {  	[sflag:s0] =	ssyncadd.s32 @!p2 $0xFFFFC000;
	s0 =	sadd.s32 @!p0 $0x10000, s28;
	s28 =	simm.s32 @!p0 $0x13880  }
0x26: {  	[tilespmem:s28], [sflag:$0x2] =	stream.linear.gather @!p0 [hbm4b:s0+s26], $0x4000, $0x38;
	[tilespmem:$0x17880] =	vst v63  }
0x27: {  	s30 =	sadd.s32 $0xFF0BE000, s17;
	s31 =	sadd.s32 @p1 s2, s11;
	_ =	swait.ge @p1 [sflag:s29], $0x4000  }
0x28: {  	s31 =	sadd.s32 @p1 $0x0, s31;
	s13 =	simm.s32 @p1 $0xF880;
	[sflag:s29] =	ssyncset.done @p1 $0x0  }
0x29: {  	s1 =	simm.s32 @p1 $0x0;
	[sflag:s29] =	ssyncadd.s32 @p1 $0xFFFFC000;
	s29 =	simm.s32 @p1 $0x7  }
0x2a: {  	[hbm4b:s31+s1] =	stream.linear.scatter @p1 [tilespmem:s13], [sflag:$0x7], $0x4000, $0x38;
	[tilespmem:$0x17880] =	vst v63  }
0x2b: {  	p2 =	seq.s32 @!p1 s30, $0x0;
	_ =	swait.ge @p1 [sflag:s29], $0x4000  }
0x2c: {  	p2 =	por !p2, p1;
	[sflag:s29] =	ssyncset.done @p1 $0x0  }
0x2d: {  	s1 =	simm.s32 @!p2 $0x1;
	[sflag:s29] =	ssyncadd.s32 @p1 $0xFFFFC000  }
0x2e: {  	s0 =	sadd.s32 $0xFF0DE000, s17;
	s30 =	simm.s32 @!p2 $0xF880;
	_ =	swait.ge @!p2 [sflag:s1], $0x2000  }
0x2f: {  	s15 =	simm.s32 @!p2 $0x0;
	s31 =	sadd.s32 @!p2 $0xF42000, s2;
	[sflag:s1] =	ssyncset.done @!p2 $0x0  }
0x30: {  	s29 =	sadd.s32 $0x40, s4;
	[sflag:s1] =	ssyncadd.s32 @!p2 $0xFFFFE000;
	s1 =	simm.s32 @!p2 $0x7  }
0x31: {  	[hbm4b:s31+s15] =	stream.linear.scatter @!p2 [tilespmem:s30], [sflag:$0x7], $0x2000, $0x38;
	[tilespmem:$0x17880] =	vst v63  }
0x32: {  	s13 =	sadd.s32 @!p0 s2, s11;
	p1 =	sgt.u32 s29, $0x1E83;
	_ =	swait.ge @!p2 [sflag:s1], $0x2000  }
0x33: {  	p3 =	sne.s32 @p1 s0, $0x0;
	s31 =	simm.s32 @!p0 $0x2;
	[sflag:s1] =	ssyncset.done @!p2 $0x0  }
0x34: {  	s0 =	rddreg [dreg:$0x4];
	[sflag:s1] =	ssyncadd.s32 @!p2 $0xFFFFE000;
	p2 =	por p3, !p1  }
0x35: {  	s1 =	sadd.s32 @!p1 $0x0, s12;
	s15 =	simm.s32 @!p2 $0x0;
	s30 =	simm.s32 @!p2 $0xF880  }
0x36: {  	[tilespmem:s30], [sflag:$0x1] =	stream.linear.gather @!p2 [hbm4b:s0+s15], $0x2000, $0x38;
	[tilespmem:$0x17880] =	vst v63  }
0x37: {  	s1 =	sadd.s32 @!p1 $0x20000, s1;
	s0 =	simm.s32 @!p1 $0x0;
	s15 =	simm.s32 @!p1 $0xF880  }
0x38: {  	[tilespmem:s15], [sflag:$0x1] =	stream.linear.gather @!p1 [hbm4b:s1+s0], $0x4000, $0x38;
	[tilespmem:$0x17880] =	vst v63  }
0x39: {  	s0 =	sadd.s32 @!p0 $0x0, s13;
	_ =	swait.ge @!p0 [sflag:s31], $0x4000  }
0x3a: {  	s30 =	simm.s32 $0x20000;
	s0 =	sadd.s32 @!p0 $0x10000, s0;
	[sflag:s31] =	ssyncset.done @!p0 $0x0  }
.LBB2_2:
0x3b: {  	p2 =	seq.s32 s30, $0x0;
	[sflag:s31] =	ssyncadd.s32 @!p0 $0xFFFFC000  }
0x3c: {  	[hbm4b:s0+s26] =	stream.linear.scatter @!p0 [tilespmem:s28], [sflag:$0x8], $0x4000, $0x38;
	[tilespmem:$0x17880] =	vst v63  }
0x3d: {  	s1 =	sadd.s32 s30, s11;
	s15 =	sadd.s32 $0x20, s29;
	s0 =	simm.s32 @!p2 $0x8  }
0x3e: {  	p1 =	slt.u32 s29, $0x1E84;
	p0 =	sgt.u32 s15, $0x1E83;
	_ =	swait.ge @!p2 [sflag:s0], $0x4000  }
0x3f: {  	s15 =	sadd.s32 @!p0 s30, s12;
	s26 =	simm.s32 @!p0 $0x0;
	[sflag:s0] =	ssyncset.done @!p2 $0x0  }
0x40: {  	s28 =	simm.s32 @!p0 $0x13880;
	[sflag:s0] =	ssyncadd.s32 @!p2 $0xFFFFC000;
	s0 =	sadd.s32 @!p0 $0x10000, s15  }
0x41: {  	[tilespmem:s28], [sflag:$0x2] =	stream.linear.gather @!p0 [hbm4b:s0+s26], $0x4000, $0x38;
	[tilespmem:$0x17880] =	vst v63  }
0x42: {  	s13 =	sadd.s32 $0xFF0BE000, s1;
	s0 =	simm.s32 @p1 $0x1  }
0x43: {  	s17 =	simm.s32 @p1 $0x0;
	s7 =	simm.s32 @p1 $0xF880;
	_ =	swait.ge @p1 [sflag:s0], $0x4000  }
0x44: {  	s8 =	simm.s32 @p1 $0x7;
	s15 =	sadd.s32 @p1 s2, s11;
	[sflag:s0] =	ssyncset.done @p1 $0x0  }
0x45: {  	p2 =	seq.s32 @!p1 s13, $0x0;
	s13 =	sadd.s32 @p1 s30, s15;
	[sflag:s0] =	ssyncadd.s32 @p1 $0xFFFFC000  }
0x46: {  	[hbm4b:s13+s17] =	stream.linear.scatter @p1 [tilespmem:s7], [sflag:$0x7], $0x4000, $0x38;
	[tilespmem:$0x17880] =	vst v63  }
0x47: {  	_ =	swait.ge @p1 [sflag:s8], $0x4000  }
0x48: {  	s31 =	smov.u32 s30;
	p2 =	por !p2, p1;
	[sflag:s8] =	ssyncset.done @p1 $0x0  }
0x49: {  	s15 =	sadd.s32 @!p0 s2, s11;
	s7 =	simm.s32 @!p2 $0x1;
	[sflag:s8] =	ssyncadd.s32 @p1 $0xFFFFC000  }
0x4a: {  	s29 =	sadd.s32 $0x40, s29;
	s0 =	sadd.s32 @!p0 s30, s15;
	_ =	swait.ge @!p2 [sflag:s7], $0x2000  }
0x4b: {  	s15 =	simm.s32 @!p2 $0x0;
	s13 =	sadd.s32 @!p2 $0xF42000, s2;
	[sflag:s7] =	ssyncset.done @!p2 $0x0  }
0x4c: {  	s8 =	simm.s32 @!p2 $0xF880;
	[sflag:s7] =	ssyncadd.s32 @!p2 $0xFFFFE000;
	s7 =	simm.s32 @!p2 $0x7  }
0x4d: {  	[hbm4b:s13+s15] =	stream.linear.scatter @!p2 [tilespmem:s8], [sflag:$0x7], $0x2000, $0x38;
	[tilespmem:$0x17880] =	vst v63  }
0x4e: {  	s1 =	sadd.s32 $0xFF0DE000, s1;
	p3 =	sgt.u32 s29, $0x1E83;
	_ =	swait.ge @!p2 [sflag:s7], $0x2000  }
0x4f: {  	p4 =	sne.s32 @p3 s1, $0x0;
	s30 =	sadd.s32 $0x20000, s30;
	[sflag:s7] =	ssyncset.done @!p2 $0x0  }
0x50: {  	p1 =	sne.s32 s30, $0xF60000;
	[sflag:s7] =	ssyncadd.s32 @!p2 $0xFFFFE000;
	p2 =	por p4, !p3  }
0x51: {  	s1 =	rddreg [dreg:$0x4];
	s8 =	simm.s32 @!p2 $0x0;
	s13 =	simm.s32 @!p2 $0xF880  }
0x52: {  	[tilespmem:s13], [sflag:$0x1] =	stream.linear.gather @!p2 [hbm4b:s1+s8], $0x2000, $0x38;
	[tilespmem:$0x17880] =	vst v63  }
.Ltmp0:
0x53: {  	s7 =	sadd.s32 @!p3 s31, s12;
	s31 =	simm.s32 @!p0 $0x2;
	(pc) =	sbr.rel @p1 .LBB2_2-.Ltmp0, $4  }
0x54: {  	s7 =	sadd.s32 @!p3 $0x20000, s7;
	s1 =	simm.s32 @!p3 $0x0;
	s8 =	simm.s32 @!p3 $0xF880  }
0x55: {  	[tilespmem:s8], [sflag:$0x1] =	stream.linear.gather @!p3 [hbm4b:s7+s1], $0x4000, $0x38;
	[tilespmem:$0x17880] =	vst v63  }
0x56: {  	_ =	swait.ge @!p0 [sflag:s31], $0x4000  }
0x57: {  	s0 =	sadd.s32 @!p0 $0x10000, s0;
	[sflag:s31] =	ssyncset.done @!p0 $0x0  }
0x58: {  	[sflag:s31] =	ssyncadd.s32 @!p0 $0xFFFFC000  }
0x59: {  	[hbm4b:s0+s26] =	stream.linear.scatter @!p0 [tilespmem:s28], [sflag:$0x8], $0x4000, $0x38;
	[tilespmem:$0x17880] =	vst v63  }
0x5a: {  	s31 =	simm.s32 $0x6800  }
0x5b: {  	[hbm4b:s16+s3] =	stream.linear.scatter [tilespmem:s31], [sflag:$0x9], $0x80, $0x38;
	[tilespmem:$0x17880] =	vst v63  }
0x5c: {  	_ =	swait.ge [sflag:s14], $0x80  }
0x5d: {  	[sflag:s14] =	ssyncset.done $0x0  }
0x5e: {  	[sflag:s14] =	ssyncadd.s32 $0xFFFFFF80  }
.LBB2_4:
0x5f: {  	s0 =	rddreg [dreg:$0x5]  }
0x60: {  	s1 =	rddreg [dreg:$0x6]  }
0x61: {  	[tilespmem:s0], [sflag:$0x9] =	stream.linear.gather [hbm4b:s1+s3], $0x1000, $0x38;
	[tilespmem:$0x17880] =	vst v63  }
0x62: {  	_ =	swait.ge [sflag:s14], $0x1000  }
0x63: {  	[sflag:s14] =	ssyncset.done $0x0  }
0x64: {  	[sflag:s14] =	ssyncadd.s32 $0xFFFFF000  }
0x65: {  	v2 =	vld [tilespmem:$0x6880]  }
0x66: {  	v3 =	vld [tilespmem:$0x6900]  }
0x67: {  	v4 =	vld [tilespmem:$0x6980]  }
0x68: {  	v5 =	vld [tilespmem:$0x6A00]  }
0x69: {  	v6 =	vld [tilespmem:$0x6A80]  }
0x6a: {  	vm0 =	veq.f32 v2, v1;
	v2 =	vld [tilespmem:$0x6B00]  }
0x6b: {  	vm9 =	veq.f32 v3, v1;
	v3 =	vld [tilespmem:$0x6B80]  }
0x6c: {  	v51 =	vld [tilespmem:$0x6C00];
	v7 =	vsel vm0, $0x1, v0  }
0x6d: {  	v53 =	vld [tilespmem:$0x6C80];
	vm10 =	veq.f32 v4, v1;
	v50 =	vsel vm9, $0x1, v0;
	(xrf0) =	vadd.scan.msk.s32 $0xffff, v7  }
0x6e: {  	v55 =	vld [tilespmem:$0x6D00];
	vm11 =	veq.f32 v5, v1;
	v52 =	vsel vm10, $0x1, v0;
	(xrf0) =	vadd.scan.msk.s32 $0xffff, v50  }
0x6f: {  	vm12 =	veq.f32 v6, v1;
	v54 =	vsel vm11, $0x1, v0;
	(xrf0) =	vadd.scan.msk.s32 $0xffff, v52;
	vm13 =	veq.f32 v2, v1;
	v2 =	vld [tilespmem:$0x6D80]  }
0x70: {  	v56 =	vsel vm12, $0x1, v0;
	(xrf0) =	vadd.scan.msk.s32 $0xffff, v54;
	vm14 =	veq.f32 v3, v1;
	v3 =	vld [tilespmem:$0x6E00]  }
0x71: {  	v59 =	vld [tilespmem:$0x6E80];
	(xrf0) =	vadd.scan.msk.s32 $0xffff, v56;
	v57 =	vsel vm13, $0x1, v0  }
0x72: {  	v61 =	vld [tilespmem:$0x6F00];
	vm15 =	veq.f32 v51, v1;
	v58 =	vsel vm14, $0x1, v0;
	(xrf0) =	vadd.scan.msk.s32 $0xffff, v57  }
0x73: {  	v12 =	vld [tilespmem:$0x6F80];
	vm4 =	veq.f32 v53, v1;
	vm5 =	veq.f32 v55, v1;
	v60 =	vsel vm15, $0x1, v0;
	v8, _, _ =	vpop (xrf0);
	(xrf0) =	vadd.scan.msk.s32 $0xffff, v58  }
0x74: {  	v63 =	vsel vm4, $0x1, v0;
	(v2sf) =	vpush v8, $0xF;
	v62, _, _ =	vpop (xrf0);
	(xrf0) =	vadd.scan.msk.s32 $0xffff, v60;
	vm6 =	veq.f32 v2, v1;
	v2 =	vld [tilespmem:$0x7000]  }
0x75: {  	v14 =	vsel vm5, $0x1, v0;
	(v2sf) =	vpush v62, $0xF;
	v13, _, _ =	vpop (xrf0);
	(xrf0) =	vadd.scan.msk.s32 $0xffff, v63;
	vm7 =	veq.f32 v3, v1;
	v3 =	vld [tilespmem:$0x7080]  }
0x76: {  	v25 =	vld [tilespmem:$0x7200];
	vm8 =	veq.f32 v59, v1;
	(v2sf) =	vpush v13, $0xF;
	v15, _, _ =	vpop (xrf0);
	(xrf0) =	vadd.scan.msk.s32 $0xffff, v14;
	v16 =	vsel vm6, $0x1, v0  }
0x77: {  	v19 =	vld [tilespmem:$0x7100];
	v21 =	vsel vm8, $0x1, v0;
	v18 =	vsel vm7, $0x1, v0;
	(v2sf) =	vpush v15, $0xF;
	v17, _, _ =	vpop (xrf0);
	(xrf0) =	vadd.scan.msk.s32 $0xffff, v16  }
0x78: {  	v22 =	vld [tilespmem:$0x7180];
	vm9 =	veq.f32 v61, v1;
	vm10 =	veq.f32 v12, v1;
	(v2sf) =	vpush v17, $0xF;
	v20, _, _ =	vpop (xrf0);
	(xrf0) =	vadd.scan.msk.s32 $0xffff, v18  }
0x79: {  	v24 =	vsel vm9, $0x1, v0;
	(v2sf) =	vpush v20, $0xF;
	v23, _, _ =	vpop (xrf0);
	(xrf0) =	vadd.scan.msk.s32 $0xffff, v21;
	vm11 =	veq.f32 v2, v1;
	v2 =	vld [tilespmem:$0x7280]  }
0x7a: {  	v27 =	vsel vm10, $0x1, v0;
	(v2sf) =	vpush v23, $0xF;
	v26, _, _ =	vpop (xrf0);
	(xrf0) =	vadd.scan.msk.s32 $0xffff, v24;
	vm12 =	veq.f32 v3, v1;
	v3 =	vld [tilespmem:$0x7300]  }
0x7b: {  	v38 =	vld [tilespmem:$0x7480];
	vm15 =	veq.f32 v25, v1;
	(v2sf) =	vpush v26, $0xF;
	v28, _, _ =	vpop (xrf0);
	(xrf0) =	vadd.scan.msk.s32 $0xffff, v27;
	v29 =	vsel vm11, $0x1, v0  }
0x7c: {  	v32 =	vld [tilespmem:$0x7380];
	vm13 =	veq.f32 v19, v1;
	v31 =	vsel vm12, $0x1, v0;
	(v2sf) =	vpush v28, $0xF;
	v30, _, _ =	vpop (xrf0);
	(xrf0) =	vadd.scan.msk.s32 $0xffff, v29  }
0x7d: {  	v35 =	vld [tilespmem:$0x7400];
	vm14 =	veq.f32 v22, v1;
	v34 =	vsel vm13, $0x1, v0;
	(v2sf) =	vpush v30, $0xF;
	v33, _, _ =	vpop (xrf0);
	(xrf0) =	vadd.scan.msk.s32 $0xffff, v31  }
0x7e: {  	v37 =	vsel vm14, $0x1, v0;
	(v2sf) =	vpush v33, $0xF;
	v36, _, _ =	vpop (xrf0);
	(xrf0) =	vadd.scan.msk.s32 $0xffff, v34;
	vm4 =	veq.f32 v2, v1;
	v2 =	vld [tilespmem:$0x7500]  }
0x7f: {  	v40 =	vsel vm15, $0x1, v0;
	(v2sf) =	vpush v36, $0xF;
	v39, _, _ =	vpop (xrf0);
	(xrf0) =	vadd.scan.msk.s32 $0xffff, v37;
	vm5 =	veq.f32 v3, v1;
	v3 =	vld [tilespmem:$0x7580]  }
0x80: {  	v51 =	vld [tilespmem:$0x7700];
	vm8 =	veq.f32 v38, v1;
	(v2sf) =	vpush v39, $0xF;
	v41, _, _ =	vpop (xrf0);
	(xrf0) =	vadd.scan.msk.s32 $0xffff, v40;
	v42 =	vsel vm4, $0x1, v0  }
0x81: {  	v45 =	vld [tilespmem:$0x7600];
	vm6 =	veq.f32 v32, v1;
	v44 =	vsel vm5, $0x1, v0;
	(v2sf) =	vpush v41, $0xF;
	v43, _, _ =	vpop (xrf0);
	(xrf0) =	vadd.scan.msk.s32 $0xffff, v42  }
0x82: {  	v48 =	vld [tilespmem:$0x7680];
	vm7 =	veq.f32 v35, v1;
	v47 =	vsel vm6, $0x1, v0;
	(v2sf) =	vpush v43, $0xF;
	v46, _, _ =	vpop (xrf0);
	(xrf0) =	vadd.scan.msk.s32 $0xffff, v44  }
0x83: {  	v50 =	vsel vm7, $0x1, v0;
	s30 =	spop (v2sf);
	(v2sf) =	vpush v46, $0xF;
	v49, _, _ =	vpop (xrf0);
	(xrf0) =	vadd.scan.msk.s32 $0xffff, v47;
	vm9 =	veq.f32 v2, v1;
	v2 =	vld [tilespmem:$0x7780]  }
0x84: {  	v53 =	vsel vm8, $0x1, v0;
	s31 =	spop (v2sf);
	(v2sf) =	vpush v49, $0xF;
	v52, _, _ =	vpop (xrf0);
	(xrf0) =	vadd.scan.msk.s32 $0xffff, v50;
	vm10 =	veq.f32 v3, v1;
	v3 =	vld [tilespmem:$0x7800]  }
0x85: {  	vm13 =	veq.f32 v51, v1;
	s0 =	sadd.s32 s30, s31;
	s7 =	spop (v2sf);
	(v2sf) =	vpush v52, $0xF;
	v54, _, _ =	vpop (xrf0);
	(xrf0) =	vadd.scan.msk.s32 $0xffff, v53;
	v55 =	vsel vm9, $0x1, v0  }
0x86: {  	vm11 =	veq.f32 v45, v1;
	v57 =	vsel vm10, $0x1, v0;
	(v2sf) =	vpush v54, $0xF;
	v56, _, _ =	vpop (xrf0);
	(xrf0) =	vadd.scan.msk.s32 $0xffff, v55;
	s0 =	sadd.s32 s7, s0;
	s8 =	spop (v2sf)  }
0x87: {  	vm12 =	veq.f32 v48, v1;
	v59 =	vsel vm11, $0x1, v0;
	(v2sf) =	vpush v56, $0xF;
	v58, _, _ =	vpop (xrf0);
	(xrf0) =	vadd.scan.msk.s32 $0xffff, v57;
	s0 =	sadd.s32 s8, s0;
	s13 =	spop (v2sf)  }
0x88: {  	v62 =	vsel vm13, $0x1, v0;
	v5 =	vsel vm12, $0x1, v0;
	(v2sf) =	vpush v58, $0xF;
	v60, _, _ =	vpop (xrf0);
	(xrf0) =	vadd.scan.msk.s32 $0xffff, v59;
	s0 =	sadd.s32 s13, s0;
	s15 =	spop (v2sf)  }
0x89: {  	(v2sf) =	vpush v60, $0xF;
	v61, _, _ =	vpop (xrf0);
	(xrf0) =	vadd.scan.msk.s32 $0xffff, v5;
	vm14 =	veq.f32 v2, v1;
	s0 =	sadd.s32 s15, s0;
	s17 =	spop (v2sf);
	vm15 =	veq.f32 v3, v1  }
0x8a: {  	(v2sf) =	vpush v61, $0xF;
	v2, _, _ =	vpop (xrf0);
	(xrf0) =	vadd.scan.msk.s32 $0xffff, v62;
	v63 =	vsel vm14, $0x1, v0;
	s0 =	sadd.s32 s17, s0;
	s26 =	spop (v2sf);
	v3 =	vsel vm15, $0x1, v0  }
0x8b: {  	(v2sf) =	vpush v2, $0xF;
	v2, _, _ =	vpop (xrf0);
	(xrf0) =	vadd.scan.msk.s32 $0xffff, v63;
	s0 =	sadd.s32 s26, s0;
	s28 =	spop (v2sf)  }
0x8c: {  	s0 =	sadd.s32 s28, s0;
	s29 =	spop (v2sf);
	(v2sf) =	vpush v2, $0xF;
	v2, _, _ =	vpop (xrf0);
	(xrf0) =	vadd.scan.msk.s32 $0xffff, v3  }
0x8d: {  	v3, _, _ =	vpop (xrf0);
	s0 =	sadd.s32 s29, s0;
	s30 =	spop (v2sf);
	(v2sf) =	vpush v2, $0xF  }
0x8e: {  	v2, _, _ =	vpop (xrf0);
	s0 =	sadd.s32 s30, s0;
	s31 =	spop (v2sf);
	(v2sf) =	vpush v3, $0xF  }
0x8f: {  	v3, _, _ =	vpop (xrf0);
	s0 =	sadd.s32 s31, s0;
	s7 =	spop (v2sf);
	(v2sf) =	vpush v2, $0xF  }
0x90: {  	v2, _, _ =	vpop (xrf0);
	s0 =	sadd.s32 s7, s0;
	s8 =	spop (v2sf);
	(v2sf) =	vpush v3, $0xF  }
0x91: {  	v3, _, _ =	vpop (xrf0);
	(v2sf) =	vpush v2, $0xF;
	s0 =	sadd.s32 s8, s0;
	s13 =	spop (v2sf)  }
0x92: {  	s0 =	sadd.s32 s13, s0;
	s15 =	spop (v2sf);
	(v2sf) =	vpush v3, $0xF;
	v2, _, _ =	vpop (xrf0)  }
0x93: {  	s0 =	sadd.s32 s15, s0;
	s17 =	spop (v2sf);
	(v2sf) =	vpush v2, $0xF  }
0x94: {  	s0 =	sadd.s32 s17, s0;
	s26 =	spop (v2sf)  }
0x95: {  	s0 =	sadd.s32 s26, s0;
	s28 =	spop (v2sf)  }
0x96: {  	s0 =	sadd.s32 s28, s0;
	s29 =	spop (v2sf)  }
0x97: {  	s0 =	sadd.s32 s29, s0;
	s30 =	spop (v2sf)  }
0x98: {  	s0 =	sadd.s32 s30, s0;
	s31 =	spop (v2sf)  }
0x99: {  	s0 =	sadd.s32 s31, s0;
	s7 =	spop (v2sf)  }
0x9a: {  	s0 =	sadd.s32 s7, s0;
	s8 =	spop (v2sf)  }
0x9b: {  	s0 =	sadd.s32 s8, s0;
	s13 =	spop (v2sf)  }
0x9c: {  	s0 =	sadd.s32 s13, s0;
	s15 =	spop (v2sf)  }
0x9d: {  	s0 =	sadd.s32 s15, s0;
	s17 =	spop (v2sf)  }
0x9e: {  	s0 =	sadd.s32 s17, s0;
	s26 =	spop (v2sf)  }
0x9f: {  	s0 =	sadd.s32 s26, s0;
	s28 =	spop (v2sf)  }
0xa0: {  	s0 =	sadd.s32 s28, s0;
	s29 =	spop (v2sf)  }
0xa1: {  	s0 =	sadd.s32 s29, s0;
	s30 =	spop (v2sf)  }
0xa2: {  	s0 =	sadd.s32 s30, s0;
	s31 =	spop (v2sf)  }
0xa3: {  	s0 =	sadd.s32 s31, s0  }
0xa4: {  	p0 =	slt.s32 s0, $0x200  }
.Ltmp1:
0xa5: {  	_ = 	snop;
	(pc) =	sbr.rel @p0 .LBB2_4-.Ltmp1, $1  }
0xa6: {  	_ =	sdelay $0x3  }
0xa7: {  	s26 =	simm.s32 $0x0  }
0xa8: {  	[tilespmem:s19], [sflag:$0x3] =	stream.indirect.gather [hbm4b:s2+s18], $0x40, s26, s18, $0xb8;
	[tilespmem:$0x17880] =	vst v63  }
.LBB2_6:
0xa9: {  	s28 =	sshllo.u32 s26, $0x1  }
0xaa: {  	s0 =	sshll.u32 s28, $0x7  }
0xab: {  	s0 =	sand.u32 $0x3FFFFF80, s0  }
0xac: {  	[tilespmem:s20], [sflag:$0x4] =	stream.indirect.gather [hbm4b:s2+s18], $0x40, s0, s18, $0xb8;
	[tilespmem:$0x17880] =	vst v63  }
0xad: {  	_ =	swait.ge [sflag:s21], $0x2000  }
0xae: {  	p0 =	seq.s32 s26, $0x0;
	[sflag:s21] =	ssyncset.done $0x0  }
0xaf: {  	s0 =	simm.s32 @!p0 $0x5;
	[sflag:s21] =	ssyncadd.s32 $0xFFFFE000  }
0xb0: {  	_ =	swait.ge @!p0 [sflag:s0], $0x4000  }
0xb1: {  	[sflag:s0] =	ssyncset.done @!p0 $0x0  }
0xb2: {  	s29 =	simm.s32 $0x7980;
	[sflag:s0] =	ssyncadd.s32 @!p0 $0xFFFFC000  }
0xb3: {  	v2 =	vld [tilespmem:s29+$0x20]  }
0xb4: {  	v3 =	vld [tilespmem:s29+$0xFFFFFF80]  }
0xb5: {  	v4 =	vld [tilespmem:s29+$0xA0]  }
0xb6: {  	v5 =	vld [tilespmem:s29+$0x90]  }
0xb7: {  	v6 =	vld [tilespmem:s29+$0xFFFFFF20]  }
0xb8: {  	v1 =	vld [tilespmem:s29+$0x10]  }
0xb9: {  	v8 =	vld [tilespmem:s29+$0xFFFFFF10]  }
0xba: {  	v9 =	vld [tilespmem:s29+$0x80]  }
0xbb: {  	v10 =	vld [tilespmem:s29+$0xFFFFFF00];
	v5 =	vmul.f32 $8.000000000e+00, v5  }
0xbc: {  	v11 =	vld [tilespmem:s29+$0x30];
	v2 =	vmul.f32 $8.000000000e+00, v2  }
0xbd: {  	v12 =	vld [tilespmem:s29+$0xFFFFFF90];
	v3 =	vmul.f32 $8.000000000e+00, v3;
	[tilespmem:s29+$0x90] =	vst v5  }
0xbe: {  	v7 =	vld [tilespmem:s29+$0xB0];
	v5 =	vmul.f32 $8.000000000e+00, v4;
	[tilespmem:s29+$0x20] =	vst v2  }
0xbf: {  	v13 =	vmul.f32 $8.000000000e+00, v6;
	v4 =	vld [tilespmem:s29+$0x0];
	[tilespmem:s29+$0xFFFFFF80] =	vst v3  }
0xc0: {  	v3 =	vmul.f32 $8.000000000e+00, v9;
	[tilespmem:s29+$0xA0] =	vst v5;
	v5 =	vld [tilespmem:s29+$0xFFFFFFB0]  }
0xc1: {  	v6 =	vld [tilespmem:s29+$0xFFFFFFA0];
	v9 =	vmul.f32 $8.000000000e+00, v10;
	v2 =	vmul.f32 $8.000000000e+00, v8;
	[tilespmem:s29+$0xFFFFFF20] =	vst v13  }
0xc2: {  	s30 =	simm.s32 $0x0;
	s31 =	simm.s32 $0x7B80;
	v8 =	vld [tilespmem:s29+$0xFFFFFF30];
	v10 =	vmul.f32 $8.000000000e+00, v12;
	[tilespmem:s29+$0x80] =	vst v3;
	v3 =	vmul.f32 $8.000000000e+00, v11  }
.LBB2_7:
0xc3: {  	v11 =	vld [tilespmem:s31+$0x20];
	s30 =	sadd.s32 $0x4, s30;
	[tilespmem:s29+$0xFFFFFF00] =	vst v9;
	v1 =	vmul.f32 $8.000000000e+00, v1;
	v7 =	vmul.f32 $8.000000000e+00, v7  }
0xc4: {  	v9 =	vld [tilespmem:s31+$0xFFFFFF80];
	p1 =	slt.u32 s30, $0x7C;
	[tilespmem:s29+$0xFFFFFF90] =	vst v10;
	v4 =	vmul.f32 $8.000000000e+00, v4  }
0xc5: {  	v10 =	vld [tilespmem:s31+$0xA0];
	v5 =	vmul.f32 $8.000000000e+00, v5;
	[tilespmem:s29+$0xB0] =	vst v7  }
0xc6: {  	v12 =	vld [tilespmem:s31+$0xFFFFFF20];
	v6 =	vmul.f32 $8.000000000e+00, v6;
	[tilespmem:s29+$0x0] =	vst v4  }
0xc7: {  	v4 =	vld [tilespmem:s31+$0x90];
	v7 =	vmul.f32 $8.000000000e+00, v8;
	[tilespmem:s29+$0x10] =	vst v1  }
0xc8: {  	v1 =	vld [tilespmem:s31+$0x10];
	v8 =	vmul.f32 $8.000000000e+00, v11;
	[tilespmem:s29+$0xFFFFFF10] =	vst v2  }
0xc9: {  	v2 =	vld [tilespmem:s31+$0xFFFFFF10];
	[tilespmem:s29+$0xFFFFFF30] =	vst v7  }
0xca: {  	v11 =	vld [tilespmem:s31+$0x80];
	v10 =	vmul.f32 $8.000000000e+00, v10;
	[tilespmem:s29+$0x30] =	vst v3  }
0xcb: {  	v3 =	vld [tilespmem:s31+$0xFFFFFF00];
	[tilespmem:s29+$0xFFFFFFB0] =	vst v5  }
0xcc: {  	v13 =	vld [tilespmem:s31+$0x30];
	v4 =	vmul.f32 $8.000000000e+00, v4;
	[tilespmem:s29+$0xFFFFFFA0] =	vst v6;
	s29 =	smov.u32 s31  }
0xcd: {  	v14 =	vld [tilespmem:s31+$0xFFFFFF90];
	[tilespmem:s31+$0x20] =	vst v8  }
.Ltmp2:
0xce: {  	v5 =	vmul.f32 $8.000000000e+00, v9;
	[tilespmem:s31+$0x90] =	vst v4;
	v7 =	vld [tilespmem:s31+$0xB0];
	(pc) =	sbr.rel @p1 .LBB2_7-.Ltmp2, $4  }
0xcf: {  	v4 =	vld [tilespmem:s31+$0x0];
	v8 =	vmul.f32 $8.000000000e+00, v11;
	[tilespmem:s31+$0xA0] =	vst v10  }
0xd0: {  	v10 =	vmul.f32 $8.000000000e+00, v12;
	[tilespmem:s31+$0xFFFFFF80] =	vst v5;
	v5 =	vld [tilespmem:s31+$0xFFFFFFB0]  }
0xd1: {  	v2 =	vmul.f32 $8.000000000e+00, v2;
	v9 =	vmul.f32 $8.000000000e+00, v3;
	v6 =	vld [tilespmem:s31+$0xFFFFFFA0];
	[tilespmem:s31+$0x80] =	vst v8  }
0xd2: {  	v3 =	vmul.f32 $8.000000000e+00, v13;
	s31 =	sadd.s32 $0x200, s31;
	[tilespmem:s29+$0xFFFFFF20] =	vst v10;
	v8 =	vld [tilespmem:s29+$0xFFFFFF30];
	v10 =	vmul.f32 $8.000000000e+00, v14  }
0xd3: {  	[tilespmem:s29+$0xFFFFFF00] =	vst v9  }
0xd4: {  	[tilespmem:s29+$0xFFFFFF10] =	vst v2  }
0xd5: {  	v7 =	vmul.f32 $8.000000000e+00, v7;
	[tilespmem:s29+$0xFFFFFF90] =	vst v10  }
0xd6: {  	v1 =	vmul.f32 $8.000000000e+00, v1;
	[tilespmem:s29+$0x30] =	vst v3  }
0xd7: {  	v4 =	vmul.f32 $8.000000000e+00, v4;
	[tilespmem:s29+$0xB0] =	vst v7  }
0xd8: {  	p1 =	sne.s32 s26, $0x63;
	[tilespmem:s29+$0x10] =	vst v1;
	v1 =	vmul.f32 $8.000000000e+00, v5  }
.Ltmp3:
0xd9: {  	s0 =	sshll.u32 s26, $0xF;
	[tilespmem:s29+$0x0] =	vst v4;
	v2 =	vmul.f32 $8.000000000e+00, v6;
	(pc) =	sbr.rel @p1 .LBB2_10-.Ltmp3, $4  }
0xda: {  	s0 =	sadd.s32 s9, s0;
	v63 =	vmul.f32 $8.000000000e+00, v8;
	[tilespmem:s29+$0xFFFFFFB0] =	vst v1  }
0xdb: {  	s0 =	sshrl.u32 s0, $0x3;
	[tilespmem:s29+$0xFFFFFFA0] =	vst v2  }
0xdc: {  	s0 =	sadd.s32 s6, s0;
	[tilespmem:s29+$0xFFFFFF30] =	vst v63  }
0xdd: {  	[hbm4b:s0+s3] =	stream.linear.scatter [tilespmem:s19], [sflag:$0x5], $0x4000, $0x38;
	[tilespmem:$0x17880] =	vst v63  }
.Ltmp4:
0xde: {  	(pc) =	sbr.rel .LBB2_11-.Ltmp4, $4  }
0xdf: {  	_ = 	snop  }
0xe0: {  	_ =	swait.ge [sflag:s22], $0x2000  }
0xe1: {  	[sflag:s22] =	ssyncset.done $0x0  }
0xe2: {  	[sflag:s22] =	ssyncadd.s32 $0xFFFFE000  }
.LBB2_10:
0xe3: {  	s0 =	sshll.u32 s26, $0x8  }
0xe4: {  	s0 =	sand.u32 $0x3FFFFF00, s0  }
.Ltmp5:
0xe5: {  	s0 =	sadd.s32 $0x100, s0;
	(pc) =	sbr.rel @p0 .LBB2_12-.Ltmp5, $4  }
0xe6: {  	[tilespmem:s19], [sflag:$0x3] =	stream.indirect.gather [hbm4b:s2+s18], $0x40, s0, s18, $0xb8;
	[tilespmem:$0x17880] =	vst v63  }
0xe7: {  	_ =	swait.ge [sflag:s22], $0x2000  }
0xe8: {  	[sflag:s22] =	ssyncset.done $0x0  }
0xe9: {  	[sflag:s22] =	ssyncadd.s32 $0xFFFFE000  }
.LBB2_11:
0xea: {  	_ =	swait.ge [sflag:s23], $0x4000  }
0xeb: {  	[sflag:s23] =	ssyncset.done $0x0  }
0xec: {  	[sflag:s23] =	ssyncadd.s32 $0xFFFFC000  }
.LBB2_12:
0xed: {  	s29 =	simm.s32 $0xB980  }
0xee: {  	v2 =	vld [tilespmem:s29+$0x20]  }
0xef: {  	v3 =	vld [tilespmem:s29+$0xFFFFFF80]  }
0xf0: {  	v4 =	vld [tilespmem:s29+$0xA0]  }
0xf1: {  	v5 =	vld [tilespmem:s29+$0x90]  }
0xf2: {  	v6 =	vld [tilespmem:s29+$0xFFFFFF20]  }
0xf3: {  	v1 =	vld [tilespmem:s29+$0x10]  }
0xf4: {  	v8 =	vld [tilespmem:s29+$0xFFFFFF10]  }
0xf5: {  	v9 =	vld [tilespmem:s29+$0x80]  }
0xf6: {  	v10 =	vld [tilespmem:s29+$0xFFFFFF00];
	v5 =	vmul.f32 $8.000000000e+00, v5  }
0xf7: {  	v11 =	vld [tilespmem:s29+$0x30];
	v2 =	vmul.f32 $8.000000000e+00, v2  }
0xf8: {  	v12 =	vld [tilespmem:s29+$0xFFFFFF90];
	v3 =	vmul.f32 $8.000000000e+00, v3;
	[tilespmem:s29+$0x90] =	vst v5  }
0xf9: {  	v7 =	vld [tilespmem:s29+$0xB0];
	v5 =	vmul.f32 $8.000000000e+00, v4;
	[tilespmem:s29+$0x20] =	vst v2  }
0xfa: {  	v13 =	vmul.f32 $8.000000000e+00, v6;
	v4 =	vld [tilespmem:s29+$0x0];
	[tilespmem:s29+$0xFFFFFF80] =	vst v3  }
0xfb: {  	v3 =	vmul.f32 $8.000000000e+00, v9;
	[tilespmem:s29+$0xA0] =	vst v5;
	v5 =	vld [tilespmem:s29+$0xFFFFFFB0]  }
0xfc: {  	v6 =	vld [tilespmem:s29+$0xFFFFFFA0];
	v9 =	vmul.f32 $8.000000000e+00, v10;
	v2 =	vmul.f32 $8.000000000e+00, v8;
	[tilespmem:s29+$0xFFFFFF20] =	vst v13  }
0xfd: {  	s30 =	simm.s32 $0x0;
	s31 =	simm.s32 $0xBB80;
	v8 =	vld [tilespmem:s29+$0xFFFFFF30];
	v10 =	vmul.f32 $8.000000000e+00, v12;
	[tilespmem:s29+$0x80] =	vst v3;
	v3 =	vmul.f32 $8.000000000e+00, v11  }
.LBB2_13:
0xfe: {  	v11 =	vld [tilespmem:s31+$0x20];
	s30 =	sadd.s32 $0x4, s30;
	[tilespmem:s29+$0xFFFFFF00] =	vst v9;
	v1 =	vmul.f32 $8.000000000e+00, v1;
	v7 =	vmul.f32 $8.000000000e+00, v7  }
0xff: {  	v9 =	vld [tilespmem:s31+$0xFFFFFF80];
	p0 =	slt.u32 s30, $0x7C;
	[tilespmem:s29+$0xFFFFFF90] =	vst v10;
	v4 =	vmul.f32 $8.000000000e+00, v4  }
0x100: {  	v10 =	vld [tilespmem:s31+$0xA0];
	v5 =	vmul.f32 $8.000000000e+00, v5;
	[tilespmem:s29+$0xB0] =	vst v7  }
0x101: {  	v12 =	vld [tilespmem:s31+$0xFFFFFF20];
	v6 =	vmul.f32 $8.000000000e+00, v6;
	[tilespmem:s29+$0x0] =	vst v4  }
0x102: {  	v4 =	vld [tilespmem:s31+$0x90];
	v7 =	vmul.f32 $8.000000000e+00, v8;
	[tilespmem:s29+$0x10] =	vst v1  }
0x103: {  	v1 =	vld [tilespmem:s31+$0x10];
	v8 =	vmul.f32 $8.000000000e+00, v11;
	[tilespmem:s29+$0xFFFFFF10] =	vst v2  }
0x104: {  	v2 =	vld [tilespmem:s31+$0xFFFFFF10];
	[tilespmem:s29+$0xFFFFFF30] =	vst v7  }
0x105: {  	v11 =	vld [tilespmem:s31+$0x80];
	v10 =	vmul.f32 $8.000000000e+00, v10;
	[tilespmem:s29+$0x30] =	vst v3  }
0x106: {  	v3 =	vld [tilespmem:s31+$0xFFFFFF00];
	[tilespmem:s29+$0xFFFFFFB0] =	vst v5  }
0x107: {  	v13 =	vld [tilespmem:s31+$0x30];
	v4 =	vmul.f32 $8.000000000e+00, v4;
	[tilespmem:s29+$0xFFFFFFA0] =	vst v6;
	s29 =	smov.u32 s31  }
0x108: {  	v14 =	vld [tilespmem:s31+$0xFFFFFF90];
	[tilespmem:s31+$0x20] =	vst v8  }
.Ltmp6:
0x109: {  	v5 =	vmul.f32 $8.000000000e+00, v9;
	[tilespmem:s31+$0x90] =	vst v4;
	v7 =	vld [tilespmem:s31+$0xB0];
	(pc) =	sbr.rel @p0 .LBB2_13-.Ltmp6, $4  }
0x10a: {  	v4 =	vld [tilespmem:s31+$0x0];
	v8 =	vmul.f32 $8.000000000e+00, v11;
	[tilespmem:s31+$0xA0] =	vst v10  }
0x10b: {  	v10 =	vmul.f32 $8.000000000e+00, v12;
	[tilespmem:s31+$0xFFFFFF80] =	vst v5;
	v5 =	vld [tilespmem:s31+$0xFFFFFFB0]  }
0x10c: {  	v2 =	vmul.f32 $8.000000000e+00, v2;
	v9 =	vmul.f32 $8.000000000e+00, v3;
	v6 =	vld [tilespmem:s31+$0xFFFFFFA0];
	[tilespmem:s31+$0x80] =	vst v8  }
0x10d: {  	v3 =	vmul.f32 $8.000000000e+00, v13;
	s31 =	sadd.s32 $0x200, s31;
	[tilespmem:s29+$0xFFFFFF20] =	vst v10;
	v8 =	vld [tilespmem:s29+$0xFFFFFF30];
	v10 =	vmul.f32 $8.000000000e+00, v14  }
0x10e: {  	[tilespmem:s29+$0xFFFFFF00] =	vst v9  }
0x10f: {  	[tilespmem:s29+$0xFFFFFF10] =	vst v2  }
0x110: {  	v7 =	vmul.f32 $8.000000000e+00, v7;
	[tilespmem:s29+$0xFFFFFF90] =	vst v10  }
0x111: {  	v1 =	vmul.f32 $8.000000000e+00, v1;
	[tilespmem:s29+$0x30] =	vst v3  }
0x112: {  	s26 =	sadd.s32 $0x1, s26;
	v4 =	vmul.f32 $8.000000000e+00, v4;
	[tilespmem:s29+$0xB0] =	vst v7  }
0x113: {  	p0 =	sne.s32 s26, $0x64;
	[tilespmem:s29+$0x10] =	vst v1;
	v1 =	vmul.f32 $8.000000000e+00, v5  }
.Ltmp7:
0x114: {  	s0 =	sshll.u32 s28, $0xE;
	[tilespmem:s29+$0x0] =	vst v4;
	v2 =	vmul.f32 $8.000000000e+00, v6;
	(pc) =	sbr.rel @p0 .LBB2_6-.Ltmp7, $4  }
0x115: {  	s0 =	sadd.s32 s9, s0;
	v63 =	vmul.f32 $8.000000000e+00, v8;
	[tilespmem:s29+$0xFFFFFFB0] =	vst v1  }
0x116: {  	s0 =	sshrl.u32 s0, $0x3;
	[tilespmem:s29+$0xFFFFFFA0] =	vst v2  }
0x117: {  	s0 =	sadd.s32 s6, s0;
	[tilespmem:s29+$0xFFFFFF30] =	vst v63  }
0x118: {  	[hbm4b:s0+s3] =	stream.linear.scatter [tilespmem:s20], [sflag:$0x6], $0x4000, $0x38;
	[tilespmem:$0x17880] =	vst v63  }
0x119: {  	s25 =	sadd.s32 $0x1, s25  }
0x11a: {  	_ =	swait.ge [sflag:s24], $0x4000;
	p0 =	sne.s32 s25, s10  }
.Ltmp8:
0x11b: {  	[sflag:s24] =	ssyncset.done $0x0;
	(pc) =	sbr.rel @p0 .LBB2_1-.Ltmp8, $4  }
0x11c: {  	[sflag:s24] =	ssyncadd.s32 $0xFFFFC000  }
0x11d: {  	_ =	swait.ge [sflag:s23], $0x4000  }
0x11e: {  	[sflag:s23] =	ssyncset.done $0x0  }
0x11f: {  	[sflag:s23] =	ssyncadd.s32 $0xFFFFC000  }
0x120: {  	_ =	sfence.sel $0x180000  }
0x121: {  	[bflag:$0x0] =	sbarrier.arrive $0xFFFF  }
0x122: {  	_ =	strace $0x90000047  }
0x123: {  	s0 =	stileid.u32;
	[bflag:$0x2] =	sbarrier.arrive $0xFFFF  }
0x124: {  	p0 =	sne.s32 s0, $0x0;
	s0 =	rddreg [dreg:$0x3]  }
0x125: {  	s0 =	sadd.s32 @!p0 $0x100000, s0  }
0x126: {  	[sflag:s0] =	ssyncadd.tile.s32 @!p0 $0x1;
	_ =	shalt  }
.Lfunc_end2:
_tile_overlayer_lowered:
.L_overlay_start_2:
0x127: {  	(tag) =	ssettag $0x2  }
0x128: {  	s0 =	rddreg [dreg:$0x0];
	s2 =	stileid.u32  }
0x129: {  	s1 =	rddreg [dreg:$0x1];
	p0 =	sne.s32 s2, $0x0  }
0x12a: {  	s3 =	rddreg [dreg:$0x2];
	[bflag:$0x3] =	sbarrier.arrive $0xFFFF;
	s2 =	simm.s32 @!p0 $0x1C09  }
0x12b: {  	[timem:s3], [sflag:s2] =	dma.local @!p0 [hbm:s0], s1  }
0x12c: {  	s0 =	simm.s32 @!p0 $0x9  }
0x12d: {  	_ =	swait.ge @!p0 [sflag:s0], s1  }
0x12e: {  	s1 =	ssub.s32 @!p0 $0x0, s1;
	[sflag:s0] =	ssyncset.done @!p0 $0x0  }
0x12f: {  	[sflag:s0] =	ssyncadd.s32 @!p0 s1  }
0x130: {  	[bflag:$0x3] =	sbarrier.arrive $0xFFFF  }
0x131: {  	_ =	shalt  }

// kernel: sparse-core-data-format-call.cloned.1.call-start
scs
called_computation_lowered:
.L_overlay_start_0:
0x0: {  	s2 =	sld [smem:$0x3FD9]  }
0x1: {  	s3 =	sld [smem:$0x3FFE];
	_ =	sdelay $0x1  }
0x2: {  	s1 =	srdreg.scid  }
0x3: {  	s0 =	sand.u32 $0x1, s1  }
0x4: {  	s18 =	sshll.u32 s0, $0xA;
	s2 =	sadd.s32 s3, s2  }
0x5: {  	s2 =	sadd.s32 s2, s18  }
0x6: {  	[smem:$0x3FC6] =	sst s2  }
0x7: {  	_ = 	snop  }
0x8: {  	s2 =	sld [smem:$0x3FD0];
	(tm) =	ssettm $0x1  }
0x9: {  	s19 =	sld [smem:$0x3FFB];
	_ =	sdelay $0x3  }
0xa: {  	_ =	strace s19  }
0xb: {  	s3 =	sld [smem:$0x3FFC];
	_ =	sdelay $0x3  }
0xc: {  	_ =	strace s3  }
0xd: {  	s3 =	sld [smem:$0x3FFD];
	_ =	sdelay $0x3  }
0xe: {  	_ =	strace s3  }
0xf: {  	_ =	strace $0x8FFFFFFF  }
0x10: {  	s20 =	sld [smem:$0x3FDB];
	_ =	sdelay $0x1  }
0x11: {  	s4 =	simm.s32 $_scs_section_size  }
0x12: {  	s5 =	simm.s32 $_size__tile_overlayer_lowered;
	s6 =	simm.s32 $_tile_overlayer_lowered  }
0x13: {  	s23 =	simm.s32 $0x1BFF;
	s22 =	sshll.u32 s6, $0x1;
	s3 =	sadd.s32 s4, s20  }
0x14: {  	s7 =	simm.s32 $0x0;
	s21 =	sshll.u32 s5, $0x1;
	s5 =	sadd.s32 s22, s3  }
0x15: {  	[timem:s7], [sflag:s23] =	dma.local [hbm:s5], s21  }
0x16: {  	_ =	swait.ge [sflag:s23], s21  }
0x17: {  	s4 =	ssub.s32 $0x0, s21;
	[sflag:s23] =	ssyncset.done $0x0  }
0x18: {  	[sflag:s23] =	ssyncadd.s32 s4;
	_ =	sdelay $0x1  }
0x19: {  	s24 =	simm.s32 $0x1B8B  }
0x1a: {  	_ =	swait.ge [sflag:s24], $0x1  }
0x1b: {  	[sflag:s24] =	ssyncset.done $0x0  }
0x1c: {  	s26 =	simm.s32 $0x1B8E;
	s25 =	sld [smem:$0x3FFE];
	[sflag:s24] =	ssyncadd.s32 $0xFFFFFFFF  }
0x1d: {  	s27 =	simm.s32 $execute0_lowered;
	[smem:$0x3FD2] =	sst s26  }
0x1e: {  	s5 =	sshll.u32 s27, $0x1;
	_ =	strace $0x80000049;
	[dreg:$0x1] =	wrdreg $0xFFFFFFFF  }
0x1f: {  	s28 =	simm.s32 $_size_execute0_lowered;
	s3 =	sadd.s32 s3, s5;
	[dreg:$0x0] =	wrdreg $0x0  }
0x20: {  	s5 =	sshll.u32 s28, $0x1;
	[dreg:$0x2] =	wrdreg s3  }
0x21: {  	[dreg:$0x3] =	wrdreg s5  }
0x22: {  	[dreg:$0x4] =	wrdreg $0xC0  }
0x23: {  	_ =	task [dreg:s7], $0x5FFFF  }
0x24: {  	[dreg:$0x1] =	wrdreg $0xFFFFFFFF  }
0x25: {  	[dreg:$0x0] =	wrdreg $0x60  }
0x26: {  	[dreg:$0x2] =	wrdreg s25  }
0x27: {  	[dreg:$0x3] =	wrdreg s2  }
0x28: {  	[dreg:$0x4] =	wrdreg $0x9  }
0x29: {  	_ =	task.clear_ibuf [dreg:s7], $0x5FFFF;
	_ =	strace $0x90000049  }
0x2a: {  	s29 =	simm.s32 $0x9;
	_ =	strace $0x8000004B  }
0x2b: {  	_ =	swait.ge [sflag:s29], $0x1  }
0x2c: {  	[sflag:s29] =	ssyncadd.s32 $0xFFFFFFFF  }
0x2d: {  	_ =	strace $0x9000004B  }
0x2e: {  	_ =	sfence  }
0x2f: {  	s30 =	sld [smem:$0x0];
	_ =	sdelay $0x2  }
0x30: {  	s31 =	sshll.u32 s1, $0xD;
	s1 =	sshrl.u32 s1, $0x2  }
0x31: {  	s3 =	sand.u32 $0x4000, s31;
	s1 =	sadd.s32 s1, s30  }
0x32: {  	s0 =	sor.u32 s3, s0;
	s1 =	sshll.u32 s1, $0x11  }
0x33: {  	s0 =	sor.u32 s1, s0  }
0x34: {  	s0 =	sadd.s32 $0x8F2B, s0  }
0x35: {  	[sflag:s0] =	ssyncadd.remote.s32 $0x1  }
0x36: {  	_ =	sfence.sel $0xFFFF  }
0x37: {  	[dreg:$0x0] =	wrdreg $0xFFFFFFFF;
	(pc) =	sbr.abs _section_cstart, $3  }
0x38: {  	[dreg:$0x1] =	wrdreg $0xFFFFFFFF  }
0x39: {  	_ =	task.clear_ibuf [dreg:s7], $0x2FFFF;
	_ =	strace $0x9FFFFFFF  }
0x3a: {  	(tm) =	ssettm $0x7FFFFFFF  }
0x3b: {  	_ =	shalt  }
tec
execute0_lowered:
.L_overlay_start_1:
0x0: {  	(tag) =	ssettag $0x1  }
0x1: {  	s0 =	srdreg.scid  }
0x2: {  	s1 =	sshll.u32 s0, $0x4  }
0x3: {  	s0 =	stileid.u32;
	s1 =	sand.u32 $0x10, s1  }
0x4: {  	s1 =	sor.u32 s0, s1  }
0x5: {  	s6 =	rddreg [dreg:$0x0];
	s4 =	simm.s32 $0x1;
	s2 =	sshll.u32 s1, $0x7  }
0x6: {  	s7 =	simm.s32 $0x2;
	s12 =	simm.s32 $0x0;
	s1 =	ssub.s32 $0x1000, s2  }
0x7: {  	s8 =	simm.s32 $0x8000;
	s13 =	simm.s32 $0x0;
	s3 =	sand.u32 $0xF80, s1  }
0x8: {  	s9 =	simm.s32 $0x0;
	s5 =	sshrl.u32 s1, $0xC;
	p0 =	sne.s32 s3, $0x0  }
.Ltmp0:
0x9: {  	s1 =	rddreg [dreg:$0x2];
	s4 =	simm.s32 @!p0 $0x0;
	(pc) =	sbr.rel .LBB1_1-.Ltmp0, $4  }
0xa: {  	s11 =	simm.s32 $0x0;
	s3 =	rddreg [dreg:$0x1];
	s5 =	sadd.s32 s4, s5  }
0xb: {  	_ =	strace $0x8000004A;
	s4 =	simm.s32 $0x1;
	s5 =	smul.u32 $0xC8, s5  }
0xc: {  	s6 =	sadd.s32 $0xF42C00, s6;
	s10 =	smov.u32 s2;
	[sflag:s4] =	ssyncpa.u1 $0x0  }
0xd: {  	p0 =	por $0x0, $0x0;
	[sflag:s7] =	ssyncpa.u1 $0x0;
	s7 =	sor.u32 $0x1, s5  }
.LBB1_4:
0xe: {  	s16 =	sshll.u32 s13, $0x3;
	s17 =	sand.u32 $0x78, s13  }
0xf: {  	s30 =	sand.u32 $0x7E00, s13;
	s12 =	sshll.u32 s12, $0xF;
	s16 =	sand.u32 $0xC00, s16  }
0x10: {  	[tilespmem:s15+$0x810 ss:$0x81] =	vst.msk $0xffff, v2;
	s31 =	sand.u32 $0x7, s13;
	s16 =	sor.u32 s17, s16;
	s17 =	sadd.s32 s3, s30  }
0x11: {  	[tilespmem:s15+$0x1020 ss:$0x81] =	vst.msk $0xffff, v0;
	s13 =	sshll.u32 s31, $0x12;
	s12 =	sadd.s32 s12, s17;
	s16 =	sshrl.u32 s16, $0x3  }
0x12: {  	[tilespmem:s15+$0x0 ss:$0x81] =	vst.msk $0xffff, v1;
	s13 =	sor.u32 $0x400, s13;
	s12 =	sadd.s32 s16, s12  }
0x13: {  	[hbm4b:s12+s13] =	stream.strided.scatter [tilespmem:s14], [sflag:$0x2], $0x2000, s8, s13, $0x20;
	[tilespmem:$0x8080] =	vst v63  }
.LBB1_5:
0x14: {  	s14 =	sadd.s32 $0x1, s9  }
0x15: {  	s12 =	sadd.s32 $0x1000, s10;
	s16 =	smov.u32 s10;
	p2 =	sgt.s32 s14, $0xC7  }
0x16: {  	s16 =	smov.u32 @p2 s12  }
0x17: {  	s14 =	simm.s32 @p2 $0x0;
	p2 =	sgt.s32 s16, $0xFFF  }
0x18: {  	s16 =	smov.u32 @p2 s2;
	p2 =	sne.s32 s11, s7  }
.Ltmp1:
0x19: {  	p1 =	slt.u32 s11, $0x2;
	(pc) =	sbr.rel @!p2 .LBB1_6-.Ltmp1, $4  }
0x1a: {  	s15 =	simm.s32 @!p1 $0x2  }
0x1b: {  	s13 =	smov.u32 s10;
	p0 =	por !p0, !p0;
	_ =	swait.ge @!p1 [sflag:s15], $0x2000  }
0x1c: {  	s12 =	smov.u32 s9;
	[sflag:s15] =	ssyncset.done @!p1 $0x0;
	s9 =	smov.u32 s14  }
0x1d: {  	s11 =	sadd.s32 $0x1, s11;
	[sflag:s15] =	ssyncadd.s32 @!p1 $0xFFFFE000;
	s10 =	smov.u32 s16  }
.LBB1_1:
0x1e: {  	p1 =	sge.u32 s11, s5  }
0x1f: {  	s14 =	sand.u32 @!p1 $0x1FFFFFF, s9  }
0x20: {  	s15 =	smulhi.u32 @!p1 $0x147AE15, s14;
	_ =	sdelay $0x1  }
0x21: {  	s15 =	smul.u32 @!p1 $0xC8, s15  }
0x22: {  	s16 =	sxor.u32 @!p1 $0xFFFFFFFF, s11;
	s17 =	smul.u32 @!p1 $0xC80, s10  }
0x23: {  	s31 =	sadd.s32 $0xFFFFFFFF, s11;
	s16 =	sshll.u32 @!p1 s16, $0xD;
	s14 =	ssub.s32 @!p1 s14, s15  }
0x24: {  	s15 =	sand.u32 @!p1 $0x2000, s16;
	s16 =	sadd.s32 @!p1 s6, s17;
	s14 =	sshll.u32 @!p1 s14, $0x4  }
0x25: {  	s17 =	simm.s32 @!p1 $0x6400;
	s14 =	sadd.s32 @!p1 s14, s16;
	s16 =	simm.s32 @!p1 $0x40  }
0x26: {  	[tilespmem:s15], [sflag:$0x1] =	stream.strided.gather @!p1 [hbm4b:s14+s16], $0x2000, s17, s16, $0x38;
	[tilespmem:$0x8080] =	vst v63  }
0x27: {  	p1 =	sge.u32 s31, s5  }
.Ltmp2:
0x28: {  	_ = 	snop;
	(pc) =	sbr.rel @p1 .LBB1_5-.Ltmp2, $1  }
0x29: {  	_ =	sdelay $0x3  }
0x2a: {  	s14 =	simm.s32 $0x1  }
0x2b: {  	_ =	swait.ge [sflag:s4], $0x2000;
	s14 =	simm.s32 @!p0 $0x0  }
0x2c: {  	[sflag:s4] =	ssyncset.done $0x0;
	s15 =	sshll.u32 s14, $0xD  }
0x2d: {  	[sflag:s4] =	ssyncadd.s32 $0xFFFFE000;
	s18 =	sor.u32 $0x20, s15  }
0x2e: {  	s14 =	smul.u32 $0x8100, s14;
	v3 =	vld [tilespmem:s18+$0x10]  }
0x2f: {  	s30 =	sand.u32 $0x1, s11;
	v2 =	vld [tilespmem:s18+$0xFFFFFFF0]  }
0x30: {  	s15 =	smul.u32 $0x8100, s30;
	s14 =	sshrl.u32 s14, $0x2;
	v0 =	vld [tilespmem:s18+$0x0]  }
0x31: {  	v1 =	vld [tilespmem:s18+$0xFFFFFFE0];
	s16 =	sor.u32 $0x4000, s14  }
0x32: {  	s31 =	sshrl.u32 s15, $0x2;
	s15 =	sadd.s32 $0x0, s16  }
0x33: {  	s17 =	simm.s32 $0x4;
	s18 =	sadd.s32 $0x40, s18;
	s14 =	sor.u32 $0x4000, s31;
	[tilespmem:s15+$0x1830 ss:$0x81] =	vst.msk $0xffff, v3  }
.LBB1_3:
0x34: {  	v3 =	vld [tilespmem:s18+$0x10];
	p1 =	sne.s32 s17, $0x1FC;
	[tilespmem:s15+$0x810 ss:$0x81] =	vst.msk $0xffff, v2;
	s19 =	smov.u32 s17;
	s17 =	sadd.s32 $0x4, s17  }
.Ltmp3:
0x35: {  	v2 =	vld [tilespmem:s18+$0xFFFFFFF0];
	[tilespmem:s15+$0x1020 ss:$0x81] =	vst.msk $0xffff, v0;
	(pc) =	sbr.rel @p1 .LBB1_3-.Ltmp3, $4  }
0x36: {  	v0 =	vld [tilespmem:s18+$0x0];
	[tilespmem:s15+$0x0 ss:$0x81] =	vst.msk $0xffff, v1  }
0x37: {  	s15 =	sshra.s32 s19, $0x2;
	v1 =	vld [tilespmem:s18+$0xFFFFFFE0]  }
0x38: {  	s15 =	sadd.s32 s15, s16  }
0x39: {  	s18 =	sadd.s32 $0x40, s18;
	[tilespmem:s15+$0x1830 ss:$0x81] =	vst.msk $0xffff, v3  }
.Ltmp4:
0x3a: {  	_ = 	snop;
	(pc) =	sbr.rel .LBB1_4-.Ltmp4, $1  }
0x3b: {  	_ =	sdelay $0x3  }
.LBB1_6:
0x3c: {  	_ =	sfence.sel $0x180000  }
0x3d: {  	s2 =	simm.s32 $0x1;
	[bflag:$0x0] =	sbarrier.arrive $0xFFFF  }
0x3e: {  	s31 =	simm.s32 $0x2;
	[sflag:s2] =	ssyncpa.u1 $0x1  }
0x3f: {  	[sflag:s31] =	ssyncpa.u1 $0x1  }
0x40: {  	p0 =	sne.s32 s0, $0x0;
	_ =	strace $0x9000004A  }
0x41: {  	s0 =	sadd.s32 @!p0 $0x100000, s1;
	[bflag:$0x2] =	sbarrier.arrive $0xFFFF  }
0x42: {  	[sflag:s0] =	ssyncadd.tile.s32 @!p0 $0x1;
	_ =	shalt  }
.Lfunc_end1:
_tile_overlayer_lowered:
.L_overlay_start_2:
0x43: {  	(tag) =	ssettag $0x2  }
0x44: {  	s0 =	rddreg [dreg:$0x0];
	s2 =	stileid.u32  }
0x45: {  	s1 =	rddreg [dreg:$0x1];
	p0 =	sne.s32 s2, $0x0  }
0x46: {  	s3 =	rddreg [dreg:$0x2];
	[bflag:$0x3] =	sbarrier.arrive $0xFFFF;
	s2 =	simm.s32 @!p0 $0x1C01  }
0x47: {  	[timem:s3], [sflag:s2] =	dma.local @!p0 [hbm:s0], s1  }
0x48: {  	s0 =	simm.s32 @!p0 $0x1  }
0x49: {  	_ =	swait.ge @!p0 [sflag:s0], s1  }
0x4a: {  	s1 =	ssub.s32 @!p0 $0x0, s1;
	[sflag:s0] =	ssyncset.done @!p0 $0x0  }
0x4b: {  	[sflag:s0] =	ssyncadd.s32 @!p0 s1  }
0x4c: {  	[bflag:$0x3] =	sbarrier.arrive $0xFFFF  }
0x4d: {  	_ =	shalt  }

</sc_bundles>
